<compile_context>
chip_gen: v7x
topology: tpu7x:2x2x1
jax: 0.10.2.dev20260603
libtpu: 0.0.44.dev20260713+nightly
codegen_flags: <defaults>
</compile_context>

<pallas_src>
import functools

import jax
import jax.numpy as jnp
from jax import lax
from jax.experimental import pallas as pl
from jax.experimental.pallas import tpu as pltpu
from jax.experimental.pallas import tpu_sc as plsc

N = 1024
D = 64
M = 1000
ND_USE = 48
EPS = 1e-8
NPAIRS = N * (N - 1) // 2

NC = 2
NS = 16
LANES = 16
NW = NC * NS
ROWS_PER_W = N // NW

_sc_mesh = plsc.VectorSubcoreMesh(core_axis_name="c", subcore_axis_name="s")


SCR_ROWS = N * N // 128
CHUNK = ROWS_PER_W * N // 128


@functools.partial(
    pl.kernel,
    mesh=_sc_mesh,
    compiler_params=pltpu.CompilerParams(
        use_tc_tiling_on_sc=False, needs_layout_passes=False),
    out_type=jax.ShapeDtypeStruct((SCR_ROWS, 128), jnp.float32),
    scratch_types=[
        pltpu.VMEM((N,), jnp.int32),
        pltpu.VMEM((ROWS_PER_W,), jnp.int32),
        pltpu.VMEM((ROWS_PER_W, M), jnp.float32),
        pltpu.VMEM((CHUNK, 128), jnp.float32),
        pltpu.SemaphoreType.DMA,
        pltpu.SemaphoreType.DMA,
        pltpu.SemaphoreType.DMA,
        pltpu.SemaphoreType.DMA,
    ],
)
def _sc_affinity(yt_hbm, lookup_hbm, out_hbm, yt_v, idx_v, rows_v, a_v,
                 sem_yt, sem_idx, sem_rows, sem_wb):
    wid = lax.axis_index("s") * NC + lax.axis_index("c")
    base_a = wid * 16
    base_b = 1008 - wid * 16
    cp_yt = pltpu.async_copy(yt_hbm, yt_v, sem_yt)
    cp_i1 = pltpu.async_copy(yt_hbm.at[pl.ds(base_a, 16)],
                             idx_v.at[pl.ds(0, 16)], sem_idx)
    cp_i2 = pltpu.async_copy(yt_hbm.at[pl.ds(base_b, 16)],
                             idx_v.at[pl.ds(16, 16)], sem_idx)
    cp_i1.wait()
    cp_i2.wait()
    cp_rows = pltpu.async_copy(lookup_hbm.at[idx_v], rows_v, sem_rows)
    cp_yt.wait()
    cp_rows.wait()

    def col_body_a(jb, carry):
        cidx = yt_v[pl.ds(jb * LANES, LANES)]
        u_base = 8 * (jb // 8)
        c_loc = LANES * (jb % 8)

        @plsc.parallel_loop(0, 16, unroll=8)
        def row_body_a(r):
            row_splat = jnp.full((LANES,), r, jnp.int32)
            vals = plsc.load_gather(rows_v, [row_splat, cidx])
            u_loc = u_base + 64 * (r // 8) + (r % 8)
            a_v[u_loc, pl.ds(c_loc, LANES)] = vals

        return carry

    def col_body_b(jb, carry):
        cidx = yt_v[pl.ds(jb * LANES, LANES)]
        u_base = 8 * (jb // 8)
        c_loc = LANES * (jb % 8)

        @plsc.parallel_loop(0, 16, unroll=8)
        def row_body_b(r):
            row_splat = jnp.full((LANES,), 16 + r, jnp.int32)
            vals = plsc.load_gather(rows_v, [row_splat, cidx])
            u_loc = 128 + u_base + 64 * (r // 8) + (r % 8)
            a_v[u_loc, pl.ds(c_loc, LANES)] = vals

        return carry

    lax.fori_loop(wid, N // LANES, col_body_a, 0)
    wb_a = pltpu.async_copy(a_v.at[pl.ds(0, 128)],
                            out_hbm.at[pl.ds(wid * 128, 128)], sem_wb)
    lax.fori_loop(63 - wid, N // LANES, col_body_b, 0)
    wb_b = pltpu.async_copy(a_v.at[pl.ds(128, 128)],
                            out_hbm.at[pl.ds(64 * (126 - 2 * wid), 128)], sem_wb)
    wb_a.wait()
    wb_b.wait()


def _tc_loss_body(yp_ref, a_ref, out_ref):
    yp = yp_ref[:]
    col = lax.broadcasted_iota(jnp.int32, (N, D), 1)
    ypm = jnp.where(col < ND_USE, yp, 0.0)
    nrm = jnp.sqrt(jnp.sum(ypm * ypm, axis=1, keepdims=True))
    yn = ypm * (1.0 / jnp.maximum(nrm, EPS))
    blocks = []
    for tj in range(8):
        b = yn[128 * tj:128 * (tj + 1), :]
        m = lax.dot_general(yn, b, (((1,), (1,)), ((), ())),
                            preferred_element_type=jnp.float32)
        blocks.append(m.reshape(N // 8, 1, 8, 128))
    gscr = jnp.concatenate(blocks, axis=1).reshape(SCR_ROWS, 128)
    u = lax.broadcasted_iota(jnp.int32, (SCR_ROWS, 128), 0)
    c = lax.broadcasted_iota(jnp.int32, (SCR_ROWS, 128), 1)
    ii = 8 * (u // 64) + (u % 8)
    jj = 128 * ((u // 8) % 8) + c
    diff = jnp.abs(gscr - a_ref[:])
    s = jnp.sum(jnp.where(jj > ii, diff, 0.0))
    out_ref[0, 0] = s * (1.0 / NPAIRS)


_tc_loss = pl.pallas_call(
    _tc_loss_body,
    out_shape=jax.ShapeDtypeStruct((1, 1), jnp.float32),
    in_specs=[
        pl.BlockSpec(memory_space=pltpu.VMEM),
        pl.BlockSpec(memory_space=pltpu.VMEM),
    ],
    out_specs=pl.BlockSpec(memory_space=pltpu.SMEM),
)


@jax.jit
def kernel(y_true, y_pred, lookup):
    yt = y_true.astype(jnp.int32)
    a = _sc_affinity(yt, lookup)
    loss = _tc_loss(y_pred, a)
    return loss[0, 0]

# --- scband reference (transcript-rebuilt; emitter-appended) ---
"""Pipeline reference for scband-affinity-cosine-loss-13142599926338 (READ-ONLY COPY).

The authoritative reference and input builder live on the scoring server;
editing this copy changes nothing except your own understanding.
"""

import jax, jax.numpy as jnp
import numpy as np

N = 1024
D = 64
M = 1000
LATENT_RATIO = 0.75
EPS = 1e-8


def setup_inputs(seed: int = 0) -> dict:
    key = jax.random.key(seed)
    k1, k2, k3 = jax.random.split(key, 3)
    y_true = jax.random.randint(k1, (N,), 0, M)
    y_pred = jax.random.normal(k2, (N, D), dtype=jnp.float32)
    lookup = jax.random.uniform(k3, (M, M), dtype=jnp.float32, minval=-1.0, maxval=1.0)
    lookup = 0.5 * (lookup + lookup.T)
    lookup = lookup.at[jnp.arange(M), jnp.arange(M)].set(1.0)
    return {"y_true": y_true, "y_pred": y_pred, "lookup": lookup}


def reference(y_true, y_pred, lookup):
    n = y_pred.shape[0]
    n_dims = y_pred.shape[1]
    n_dims_to_use = int(n_dims * LATENT_RATIO)
    yp = y_pred[:, :n_dims_to_use]
    # torch.combinations(v, r=2) enumerates pairs (i, j) with i < j in row-major order,
    # which matches np.triu_indices(n, k=1).
    ii_np, jj_np = np.triu_indices(n, k=1)
    ii = jnp.asarray(ii_np, dtype=jnp.int32)
    jj = jnp.asarray(jj_np, dtype=jnp.int32)
    # affinity = lookup[y_true[i], y_true[j]] (gather)
    affinity = lookup[y_true[ii], y_true[jj]]
    # cosine similarity between y_pred_partial[i] and y_pred_partial[j]
    a = jnp.take(yp, ii, axis=0)
    b = jnp.take(yp, jj, axis=0)
    na = jnp.maximum(jnp.linalg.norm(a, axis=1), EPS)
    nb = jnp.maximum(jnp.linalg.norm(b, axis=1), EPS)
    latent_similarity = jnp.sum(a * b, axis=1) / (na * nb)
    losses = jnp.abs(latent_similarity - affinity)  # L1Loss(reduction='none')
    return jnp.mean(losses)

if __name__ == "__main__":
    import jax
    _d = setup_inputs()
    print(jax.jit(kernel)(*tuple(_d.values())))

</pallas_src>

<mosaic_0001>
#map = affine_map<(d0, d1) -> (0)>
#map1 = affine_map<(d0, d1) -> (0, 0)>
module attributes {stable_mosaic.version = 14 : i64} {
  func.func @_sc_affinity(%arg0: i32, %arg1: i32, %arg2: memref<1024xi32, #tpu.memory_space<hbm>>, %arg3: memref<1000x1000xf32, #tpu.memory_space<hbm>>, %arg4: memref<8192x128xf32, #tpu.memory_space<hbm>>, %arg5: memref<1024xi32, #tpu.memory_space<vmem>>, %arg6: memref<32xi32, #tpu.memory_space<vmem>>, %arg7: memref<32x1000xf32, #tpu.memory_space<vmem>>, %arg8: memref<256x128xf32, #tpu.memory_space<vmem>>, %arg9: memref<!tpu.dma_semaphore, #tpu.memory_space<semaphore_mem>>, %arg10: memref<!tpu.dma_semaphore, #tpu.memory_space<semaphore_mem>>, %arg11: memref<!tpu.dma_semaphore, #tpu.memory_space<semaphore_mem>>, %arg12: memref<!tpu.dma_semaphore, #tpu.memory_space<semaphore_mem>>) attributes {dimension_semantics = [#tpu.dimension_semantics<core_parallel>, #tpu.dimension_semantics<subcore_parallel>], iteration_bounds = array<i64: 2, 16>, scalar_prefetch = 0 : i64, scratch_operands = 8 : i64, tpu.core_type = #tpu.core_type<sc_vector_subcore>, window_params = [{transform_indices = #map}, {transform_indices = #map1}, {transform_indices = #map1}]} {
    %mul3A = arith.constant 2 : i32
    %mul3A_0 = arith.muli %arg1, %mul3A : i32
    %add3A = arith.addi %mul3A_0, %arg0 : i32
    %mul3A_1 = arith.constant 16 : i32
    %mul3A_2 = arith.muli %add3A, %mul3A_1 : i32
    %mul3A_3 = arith.constant 16 : i32
    %mul3A_4 = arith.muli %add3A, %mul3A_3 : i32
    %sub3A = arith.constant 1008 : i32
    %sub3A_5 = arith.subi %sub3A, %mul3A_4 : i32
    tpu.enqueue_dma source(%arg2 : memref<1024xi32, #tpu.memory_space<hbm>>) target(%arg5 : memref<1024xi32, #tpu.memory_space<vmem>>) target_semaphore(%arg9 : memref<!tpu.dma_semaphore, #tpu.memory_space<semaphore_mem>>)
    %dma_start3A = arith.constant 0 : i32
    %dma_start3A_6 = tpu.memref_slice %arg6[%dma_start3A] : memref<32xi32, #tpu.memory_space<vmem>> -> memref<16xi32, #tpu.memory_space<vmem>>
    %dma_start3A_7 = tpu.memref_slice %arg2[%mul3A_2] : memref<1024xi32, #tpu.memory_space<hbm>> -> memref<16xi32, #tpu.memory_space<hbm>>
    %dma_start3A_8 = arith.constant 0 : i32
    %dma_start3A_9 = tpu.memref_slice %arg6[%dma_start3A_8] : memref<32xi32, #tpu.memory_space<vmem>> -> memref<16xi32, #tpu.memory_space<vmem>>
    %dma_start3A_10 = tpu.memref_slice %arg2[%mul3A_2] : memref<1024xi32, #tpu.memory_space<hbm>> -> memref<16xi32, #tpu.memory_space<hbm>>
    tpu.enqueue_dma source(%dma_start3A_10 : memref<16xi32, #tpu.memory_space<hbm>>) target(%dma_start3A_9 : memref<16xi32, #tpu.memory_space<vmem>>) target_semaphore(%arg10 : memref<!tpu.dma_semaphore, #tpu.memory_space<semaphore_mem>>)
    %dma_start3A_11 = arith.constant 16 : i32
    %dma_start3A_12 = tpu.memref_slice %arg6[%dma_start3A_11] : memref<32xi32, #tpu.memory_space<vmem>> -> memref<16xi32, #tpu.memory_space<vmem>>
    %dma_start3A_13 = tpu.memref_slice %arg2[%sub3A_5] : memref<1024xi32, #tpu.memory_space<hbm>> -> memref<16xi32, #tpu.memory_space<hbm>>
    %dma_start3A_14 = arith.constant 16 : i32
    %dma_start3A_15 = tpu.memref_slice %arg6[%dma_start3A_14] : memref<32xi32, #tpu.memory_space<vmem>> -> memref<16xi32, #tpu.memory_space<vmem>>
    %dma_start3A_16 = tpu.memref_slice %arg2[%sub3A_5] : memref<1024xi32, #tpu.memory_space<hbm>> -> memref<16xi32, #tpu.memory_space<hbm>>
    tpu.enqueue_dma source(%dma_start3A_16 : memref<16xi32, #tpu.memory_space<hbm>>) target(%dma_start3A_15 : memref<16xi32, #tpu.memory_space<vmem>>) target_semaphore(%arg10 : memref<!tpu.dma_semaphore, #tpu.memory_space<semaphore_mem>>)
    %dma_wait3A = arith.constant 0 : i32
    %dma_wait3A_17 = tpu.memref_slice %arg6[%dma_wait3A] : memref<32xi32, #tpu.memory_space<vmem>> -> memref<16xi32, #tpu.memory_space<vmem>>
    %dma_wait3A_18 = tpu.memref_slice %arg2[%mul3A_2] : memref<1024xi32, #tpu.memory_space<hbm>> -> memref<16xi32, #tpu.memory_space<hbm>>
    %dma_wait3A_19 = arith.constant 0 : i32
    %dma_wait3A_20 = tpu.memref_slice %arg6[%dma_wait3A_19] : memref<32xi32, #tpu.memory_space<vmem>> -> memref<16xi32, #tpu.memory_space<vmem>>
    %dma_wait3A_21 = tpu.memref_slice %arg2[%mul3A_2] : memref<1024xi32, #tpu.memory_space<hbm>> -> memref<16xi32, #tpu.memory_space<hbm>>
    tpu.wait_dma2 semaphore(%arg10 : memref<!tpu.dma_semaphore, #tpu.memory_space<semaphore_mem>>) src(%dma_wait3A_21 : memref<16xi32, #tpu.memory_space<hbm>>) dst(%dma_wait3A_20 : memref<16xi32, #tpu.memory_space<vmem>>)
    %dma_wait3A_22 = arith.constant 16 : i32
    %dma_wait3A_23 = tpu.memref_slice %arg6[%dma_wait3A_22] : memref<32xi32, #tpu.memory_space<vmem>> -> memref<16xi32, #tpu.memory_space<vmem>>
    %dma_wait3A_24 = tpu.memref_slice %arg2[%sub3A_5] : memref<1024xi32, #tpu.memory_space<hbm>> -> memref<16xi32, #tpu.memory_space<hbm>>
    %dma_wait3A_25 = arith.constant 16 : i32
    %dma_wait3A_26 = tpu.memref_slice %arg6[%dma_wait3A_25] : memref<32xi32, #tpu.memory_space<vmem>> -> memref<16xi32, #tpu.memory_space<vmem>>
    %dma_wait3A_27 = tpu.memref_slice %arg2[%sub3A_5] : memref<1024xi32, #tpu.memory_space<hbm>> -> memref<16xi32, #tpu.memory_space<hbm>>
    tpu.wait_dma2 semaphore(%arg10 : memref<!tpu.dma_semaphore, #tpu.memory_space<semaphore_mem>>) src(%dma_wait3A_27 : memref<16xi32, #tpu.memory_space<hbm>>) dst(%dma_wait3A_26 : memref<16xi32, #tpu.memory_space<vmem>>)
    %dma_start3A_28 = arith.constant 0 : i32
    %dma_start3A_29 = arith.constant 0 : i32
    %dma_start3A_30 = tpu.memref_slice %arg3[%dma_start3A_28, %dma_start3A_29] : memref<1000x1000xf32, #tpu.memory_space<hbm>> -> memref<1000x1000xf32, #tpu.memory_space<hbm>>
    tpu.enqueue_indirect_dma source(%dma_start3A_30 : memref<1000x1000xf32, #tpu.memory_space<hbm>>) target(%arg7 : memref<32x1000xf32, #tpu.memory_space<vmem>>) offsets(%arg6 : memref<32xi32, #tpu.memory_space<vmem>>) semaphore(%arg11 : memref<!tpu.dma_semaphore, #tpu.memory_space<semaphore_mem>>)
    tpu.wait_dma2 semaphore(%arg9 : memref<!tpu.dma_semaphore, #tpu.memory_space<semaphore_mem>>) src(%arg2 : memref<1024xi32, #tpu.memory_space<hbm>>) dst(%arg5 : memref<1024xi32, #tpu.memory_space<vmem>>)
    %dma_wait3A_31 = arith.constant 0 : i32
    %dma_wait3A_32 = arith.constant 0 : i32
    %dma_wait3A_33 = tpu.memref_slice %arg3[%dma_wait3A_31, %dma_wait3A_32] : memref<1000x1000xf32, #tpu.memory_space<hbm>> -> memref<1000x1000xf32, #tpu.memory_space<hbm>>
    tpu.wait_indirect_dma semaphore(%arg11 : memref<!tpu.dma_semaphore, #tpu.memory_space<semaphore_mem>>) src(%dma_wait3A_33 : memref<1000x1000xf32, #tpu.memory_space<hbm>>) dst(%arg7 : memref<32x1000xf32, #tpu.memory_space<vmem>>)
    %while3A = arith.constant 0 : i32
    %while3A_34 = arith.constant 64 : i32
    %while3A_35 = arith.subi %while3A_34, %add3A : i32
    %while3A_36 = arith.addi %add3A, %while3A_35 : i32
    %while3A_37 = arith.constant 1 : i32
    %while3A_38 = arith.divsi %while3A_35, %while3A_37 : i32
    %while3A_39 = arith.muli %while3A_38, %while3A_37 : i32
    %while3A_40 = arith.addi %add3A, %while3A_39 : i32
    %while3A_41 = arith.constant 1 : i32
    scf.for %while3A_103 = %add3A to %while3A_40 step %while3A_41  : i32 {
      %mul3A_104 = arith.constant 16 : i32
      %mul3A_105 = arith.muli %while3A_103, %mul3A_104 : i32
      %get3A = arith.index_cast %mul3A_105 : i32 to index
      %get3A_106 = tpu.vector_load %arg5[%get3A] {strides = array<i32>} : memref<1024xi32, #tpu.memory_space<vmem>>, vector<16xi32>,
      %jit3A = arith.constant 8 : i32
      %div3A = arith.divsi %while3A_103, %jit3A : i32
      %sign3A = arith.constant 0 : i32
      %sign3A_107 = arith.cmpi sgt, %while3A_103, %sign3A : i32
      %sign3A_108 = arith.extui %sign3A_107 : i1 to i32
      %sign3A_109 = arith.constant 0 : i32
      %sign3A_110 = arith.cmpi slt, %while3A_103, %sign3A_109 : i32
      %sign3A_111 = arith.extui %sign3A_110 : i1 to i32
      %sign3A_112 = arith.subi %sign3A_108, %sign3A_111 : i32
      %sign3A_113 = arith.constant 0 : i32
      %sign3A_114 = arith.cmpi sgt, %jit3A, %sign3A_113 : i32
      %sign3A_115 = arith.extui %sign3A_114 : i1 to i32
      %sign3A_116 = arith.constant 0 : i32
      %sign3A_117 = arith.cmpi slt, %jit3A, %sign3A_116 : i32
      %sign3A_118 = arith.extui %sign3A_117 : i1 to i32
      %sign3A_119 = arith.subi %sign3A_115, %sign3A_118 : i32
      %ne3A = arith.cmpi ne, %sign3A_112, %sign3A_119 : i32
      %rem3A = arith.remsi %while3A_103, %jit3A : i32
      %ne3A_120 = arith.constant 0 : i32
      %ne3A_121 = arith.cmpi ne, %rem3A, %ne3A_120 : i32
      %and3A = arith.andi %ne3A, %ne3A_121 : i1
      %sub3A_122 = arith.constant 1 : i32
      %sub3A_123 = arith.subi %div3A, %sub3A_122 : i32
      %select_n3A = arith.select %and3A, %sub3A_123, %div3A : i32
      %mul3A_124 = arith.constant 8 : i32
      %mul3A_125 = arith.muli %mul3A_124, %select_n3A : i32
      %jit3A_126 = arith.constant 8 : i32
      %eq3A = arith.constant 0 : i32
      %eq3A_127 = arith.cmpi eq, %jit3A_126, %eq3A : i32
      %jit3A_128 = arith.constant 1 : i32
      %select_n3A_129 = arith.select %eq3A_127, %jit3A_128, %jit3A_126 : i32
      %rem3A_130 = arith.remsi %while3A_103, %select_n3A_129 : i32
      %ne3A_131 = arith.constant 0 : i32
      %ne3A_132 = arith.cmpi ne, %rem3A_130, %ne3A_131 : i32
      %lt3A = arith.constant 0 : i32
      %lt3A_133 = arith.cmpi slt, %rem3A_130, %lt3A : i32
      %lt3A_134 = arith.constant 0 : i32
      %lt3A_135 = arith.cmpi slt, %select_n3A_129, %lt3A_134 : i32
      %ne3A_136 = arith.xori %lt3A_133, %lt3A_135 : i1
      %and3A_137 = arith.andi %ne3A_136, %ne3A_132 : i1
      %add3A_138 = arith.addi %rem3A_130, %select_n3A_129 : i32
      %select_n3A_139 = arith.select %and3A_137, %add3A_138, %rem3A_130 : i32
      %mul3A_140 = arith.constant 16 : i32
      %mul3A_141 = arith.muli %mul3A_140, %select_n3A_139 : i32
      %parallel_loop3A = arith.constant 0 : i32
      %parallel_loop3A_142 = arith.constant 16 : i32
      %parallel_loop3A_143 = arith.constant 1 : i32
      scf.for %parallel_loop3A_144 = %parallel_loop3A to %parallel_loop3A_142 step %parallel_loop3A_143  : i32 {
        %parallel_loop3A_145 = vector.broadcast %parallel_loop3A_144 : i32 to vector<16xi32>
        %parallel_loop3A_146 = tpu.vector_load_idx %arg7[%parallel_loop3A_145, %get3A_106] : memref<32x1000xf32, #tpu.memory_space<vmem>>[vector<16xi32>, vector<16xi32>], vector<16xf32>,
        %parallel_loop3A_147 = arith.constant 8 : i32
        %parallel_loop3A_148 = arith.divsi %parallel_loop3A_144, %parallel_loop3A_147 : i32
        %parallel_loop3A_149 = arith.constant 0 : i32
        %parallel_loop3A_150 = arith.cmpi sgt, %parallel_loop3A_144, %parallel_loop3A_149 : i32
        %parallel_loop3A_151 = arith.extui %parallel_loop3A_150 : i1 to i32
        %parallel_loop3A_152 = arith.constant 0 : i32
        %parallel_loop3A_153 = arith.cmpi slt, %parallel_loop3A_144, %parallel_loop3A_152 : i32
        %parallel_loop3A_154 = arith.extui %parallel_loop3A_153 : i1 to i32
        %parallel_loop3A_155 = arith.subi %parallel_loop3A_151, %parallel_loop3A_154 : i32
        %parallel_loop3A_156 = arith.constant 0 : i32
        %parallel_loop3A_157 = arith.cmpi sgt, %parallel_loop3A_147, %parallel_loop3A_156 : i32
        %parallel_loop3A_158 = arith.extui %parallel_loop3A_157 : i1 to i32
        %parallel_loop3A_159 = arith.constant 0 : i32
        %parallel_loop3A_160 = arith.cmpi slt, %parallel_loop3A_147, %parallel_loop3A_159 : i32
        %parallel_loop3A_161 = arith.extui %parallel_loop3A_160 : i1 to i32
        %parallel_loop3A_162 = arith.subi %parallel_loop3A_158, %parallel_loop3A_161 : i32
        %parallel_loop3A_163 = arith.cmpi ne, %parallel_loop3A_155, %parallel_loop3A_162 : i32
        %parallel_loop3A_164 = arith.remsi %parallel_loop3A_144, %parallel_loop3A_147 : i32
        %parallel_loop3A_165 = arith.constant 0 : i32
        %parallel_loop3A_166 = arith.cmpi ne, %parallel_loop3A_164, %parallel_loop3A_165 : i32
        %parallel_loop3A_167 = arith.andi %parallel_loop3A_163, %parallel_loop3A_166 : i1
        %parallel_loop3A_168 = arith.constant 1 : i32
        %parallel_loop3A_169 = arith.subi %parallel_loop3A_148, %parallel_loop3A_168 : i32
        %parallel_loop3A_170 = arith.select %parallel_loop3A_167, %parallel_loop3A_169, %parallel_loop3A_148 : i32
        %parallel_loop3A_171 = arith.constant 64 : i32
        %parallel_loop3A_172 = arith.muli %parallel_loop3A_171, %parallel_loop3A_170 : i32
        %parallel_loop3A_173 = arith.addi %mul3A_125, %parallel_loop3A_172 : i32
        %parallel_loop3A_174 = arith.constant 8 : i32
        %parallel_loop3A_175 = arith.constant 0 : i32
        %parallel_loop3A_176 = arith.cmpi eq, %parallel_loop3A_174, %parallel_loop3A_175 : i32
        %parallel_loop3A_177 = arith.constant 1 : i32
        %parallel_loop3A_178 = arith.select %parallel_loop3A_176, %parallel_loop3A_177, %parallel_loop3A_174 : i32
        %parallel_loop3A_179 = arith.remsi %parallel_loop3A_144, %parallel_loop3A_178 : i32
        %parallel_loop3A_180 = arith.constant 0 : i32
        %parallel_loop3A_181 = arith.cmpi ne, %parallel_loop3A_179, %parallel_loop3A_180 : i32
        %parallel_loop3A_182 = arith.constant 0 : i32
        %parallel_loop3A_183 = arith.cmpi slt, %parallel_loop3A_179, %parallel_loop3A_182 : i32
        %parallel_loop3A_184 = arith.constant 0 : i32
        %parallel_loop3A_185 = arith.cmpi slt, %parallel_loop3A_178, %parallel_loop3A_184 : i32
        %parallel_loop3A_186 = arith.xori %parallel_loop3A_183, %parallel_loop3A_185 : i1
        %parallel_loop3A_187 = arith.andi %parallel_loop3A_186, %parallel_loop3A_181 : i1
        %parallel_loop3A_188 = arith.addi %parallel_loop3A_179, %parallel_loop3A_178 : i32
        %parallel_loop3A_189 = arith.select %parallel_loop3A_187, %parallel_loop3A_188, %parallel_loop3A_179 : i32
        %parallel_loop3A_190 = arith.addi %parallel_loop3A_173, %parallel_loop3A_189 : i32
        %parallel_loop3A_191 = arith.index_cast %parallel_loop3A_190 : i32 to index
        %parallel_loop3A_192 = arith.index_cast %mul3A_141 : i32 to index
        %parallel_loop3A_193 = tpu.vector_load %arg8[%parallel_loop3A_191, %parallel_loop3A_192] {strides = array<i32>} : memref<256x128xf32, #tpu.memory_space<vmem>>, vector<16xf32>,
        tpu.vector_store %arg8[%parallel_loop3A_191, %parallel_loop3A_192], %parallel_loop3A_146 {strides = array<i32>} : memref<256x128xf32, #tpu.memory_space<vmem>>, vector<16xf32>,
      } {sc.loop_unroll_factor = 8 : i64, sc.parallel_access}
    }
    %while3A_42 = arith.constant 1 : i32
    scf.for %while3A_103 = %while3A_40 to %while3A_36 step %while3A_42  : i32 {
      %mul3A_104 = arith.constant 16 : i32
      %mul3A_105 = arith.muli %while3A_103, %mul3A_104 : i32
      %get3A = arith.index_cast %mul3A_105 : i32 to index
      %get3A_106 = tpu.vector_load %arg5[%get3A] {strides = array<i32>} : memref<1024xi32, #tpu.memory_space<vmem>>, vector<16xi32>,
      %jit3A = arith.constant 8 : i32
      %div3A = arith.divsi %while3A_103, %jit3A : i32
      %sign3A = arith.constant 0 : i32
      %sign3A_107 = arith.cmpi sgt, %while3A_103, %sign3A : i32
      %sign3A_108 = arith.extui %sign3A_107 : i1 to i32
      %sign3A_109 = arith.constant 0 : i32
      %sign3A_110 = arith.cmpi slt, %while3A_103, %sign3A_109 : i32
      %sign3A_111 = arith.extui %sign3A_110 : i1 to i32
      %sign3A_112 = arith.subi %sign3A_108, %sign3A_111 : i32
      %sign3A_113 = arith.constant 0 : i32
      %sign3A_114 = arith.cmpi sgt, %jit3A, %sign3A_113 : i32
      %sign3A_115 = arith.extui %sign3A_114 : i1 to i32
      %sign3A_116 = arith.constant 0 : i32
      %sign3A_117 = arith.cmpi slt, %jit3A, %sign3A_116 : i32
      %sign3A_118 = arith.extui %sign3A_117 : i1 to i32
      %sign3A_119 = arith.subi %sign3A_115, %sign3A_118 : i32
      %ne3A = arith.cmpi ne, %sign3A_112, %sign3A_119 : i32
      %rem3A = arith.remsi %while3A_103, %jit3A : i32
      %ne3A_120 = arith.constant 0 : i32
      %ne3A_121 = arith.cmpi ne, %rem3A, %ne3A_120 : i32
      %and3A = arith.andi %ne3A, %ne3A_121 : i1
      %sub3A_122 = arith.constant 1 : i32
      %sub3A_123 = arith.subi %div3A, %sub3A_122 : i32
      %select_n3A = arith.select %and3A, %sub3A_123, %div3A : i32
      %mul3A_124 = arith.constant 8 : i32
      %mul3A_125 = arith.muli %mul3A_124, %select_n3A : i32
      %jit3A_126 = arith.constant 8 : i32
      %eq3A = arith.constant 0 : i32
      %eq3A_127 = arith.cmpi eq, %jit3A_126, %eq3A : i32
      %jit3A_128 = arith.constant 1 : i32
      %select_n3A_129 = arith.select %eq3A_127, %jit3A_128, %jit3A_126 : i32
      %rem3A_130 = arith.remsi %while3A_103, %select_n3A_129 : i32
      %ne3A_131 = arith.constant 0 : i32
      %ne3A_132 = arith.cmpi ne, %rem3A_130, %ne3A_131 : i32
      %lt3A = arith.constant 0 : i32
      %lt3A_133 = arith.cmpi slt, %rem3A_130, %lt3A : i32
      %lt3A_134 = arith.constant 0 : i32
      %lt3A_135 = arith.cmpi slt, %select_n3A_129, %lt3A_134 : i32
      %ne3A_136 = arith.xori %lt3A_133, %lt3A_135 : i1
      %and3A_137 = arith.andi %ne3A_136, %ne3A_132 : i1
      %add3A_138 = arith.addi %rem3A_130, %select_n3A_129 : i32
      %select_n3A_139 = arith.select %and3A_137, %add3A_138, %rem3A_130 : i32
      %mul3A_140 = arith.constant 16 : i32
      %mul3A_141 = arith.muli %mul3A_140, %select_n3A_139 : i32
      %parallel_loop3A = arith.constant 0 : i32
      %parallel_loop3A_142 = arith.constant 16 : i32
      %parallel_loop3A_143 = arith.constant 1 : i32
      scf.for %parallel_loop3A_144 = %parallel_loop3A to %parallel_loop3A_142 step %parallel_loop3A_143  : i32 {
        %parallel_loop3A_145 = vector.broadcast %parallel_loop3A_144 : i32 to vector<16xi32>
        %parallel_loop3A_146 = tpu.vector_load_idx %arg7[%parallel_loop3A_145, %get3A_106] : memref<32x1000xf32, #tpu.memory_space<vmem>>[vector<16xi32>, vector<16xi32>], vector<16xf32>,
        %parallel_loop3A_147 = arith.constant 8 : i32
        %parallel_loop3A_148 = arith.divsi %parallel_loop3A_144, %parallel_loop3A_147 : i32
        %parallel_loop3A_149 = arith.constant 0 : i32
        %parallel_loop3A_150 = arith.cmpi sgt, %parallel_loop3A_144, %parallel_loop3A_149 : i32
        %parallel_loop3A_151 = arith.extui %parallel_loop3A_150 : i1 to i32
        %parallel_loop3A_152 = arith.constant 0 : i32
        %parallel_loop3A_153 = arith.cmpi slt, %parallel_loop3A_144, %parallel_loop3A_152 : i32
        %parallel_loop3A_154 = arith.extui %parallel_loop3A_153 : i1 to i32
        %parallel_loop3A_155 = arith.subi %parallel_loop3A_151, %parallel_loop3A_154 : i32
        %parallel_loop3A_156 = arith.constant 0 : i32
        %parallel_loop3A_157 = arith.cmpi sgt, %parallel_loop3A_147, %parallel_loop3A_156 : i32
        %parallel_loop3A_158 = arith.extui %parallel_loop3A_157 : i1 to i32
        %parallel_loop3A_159 = arith.constant 0 : i32
        %parallel_loop3A_160 = arith.cmpi slt, %parallel_loop3A_147, %parallel_loop3A_159 : i32
        %parallel_loop3A_161 = arith.extui %parallel_loop3A_160 : i1 to i32
        %parallel_loop3A_162 = arith.subi %parallel_loop3A_158, %parallel_loop3A_161 : i32
        %parallel_loop3A_163 = arith.cmpi ne, %parallel_loop3A_155, %parallel_loop3A_162 : i32
        %parallel_loop3A_164 = arith.remsi %parallel_loop3A_144, %parallel_loop3A_147 : i32
        %parallel_loop3A_165 = arith.constant 0 : i32
        %parallel_loop3A_166 = arith.cmpi ne, %parallel_loop3A_164, %parallel_loop3A_165 : i32
        %parallel_loop3A_167 = arith.andi %parallel_loop3A_163, %parallel_loop3A_166 : i1
        %parallel_loop3A_168 = arith.constant 1 : i32
        %parallel_loop3A_169 = arith.subi %parallel_loop3A_148, %parallel_loop3A_168 : i32
        %parallel_loop3A_170 = arith.select %parallel_loop3A_167, %parallel_loop3A_169, %parallel_loop3A_148 : i32
        %parallel_loop3A_171 = arith.constant 64 : i32
        %parallel_loop3A_172 = arith.muli %parallel_loop3A_171, %parallel_loop3A_170 : i32
        %parallel_loop3A_173 = arith.addi %mul3A_125, %parallel_loop3A_172 : i32
        %parallel_loop3A_174 = arith.constant 8 : i32
        %parallel_loop3A_175 = arith.constant 0 : i32
        %parallel_loop3A_176 = arith.cmpi eq, %parallel_loop3A_174, %parallel_loop3A_175 : i32
        %parallel_loop3A_177 = arith.constant 1 : i32
        %parallel_loop3A_178 = arith.select %parallel_loop3A_176, %parallel_loop3A_177, %parallel_loop3A_174 : i32
        %parallel_loop3A_179 = arith.remsi %parallel_loop3A_144, %parallel_loop3A_178 : i32
        %parallel_loop3A_180 = arith.constant 0 : i32
        %parallel_loop3A_181 = arith.cmpi ne, %parallel_loop3A_179, %parallel_loop3A_180 : i32
        %parallel_loop3A_182 = arith.constant 0 : i32
        %parallel_loop3A_183 = arith.cmpi slt, %parallel_loop3A_179, %parallel_loop3A_182 : i32
        %parallel_loop3A_184 = arith.constant 0 : i32
        %parallel_loop3A_185 = arith.cmpi slt, %parallel_loop3A_178, %parallel_loop3A_184 : i32
        %parallel_loop3A_186 = arith.xori %parallel_loop3A_183, %parallel_loop3A_185 : i1
        %parallel_loop3A_187 = arith.andi %parallel_loop3A_186, %parallel_loop3A_181 : i1
        %parallel_loop3A_188 = arith.addi %parallel_loop3A_179, %parallel_loop3A_178 : i32
        %parallel_loop3A_189 = arith.select %parallel_loop3A_187, %parallel_loop3A_188, %parallel_loop3A_179 : i32
        %parallel_loop3A_190 = arith.addi %parallel_loop3A_173, %parallel_loop3A_189 : i32
        %parallel_loop3A_191 = arith.index_cast %parallel_loop3A_190 : i32 to index
        %parallel_loop3A_192 = arith.index_cast %mul3A_141 : i32 to index
        %parallel_loop3A_193 = tpu.vector_load %arg8[%parallel_loop3A_191, %parallel_loop3A_192] {strides = array<i32>} : memref<256x128xf32, #tpu.memory_space<vmem>>, vector<16xf32>,
        tpu.vector_store %arg8[%parallel_loop3A_191, %parallel_loop3A_192], %parallel_loop3A_146 {strides = array<i32>} : memref<256x128xf32, #tpu.memory_space<vmem>>, vector<16xf32>,
      } {sc.loop_unroll_factor = 8 : i64, sc.parallel_access}
    }
    %mul3A_43 = arith.constant 128 : i32
    %mul3A_44 = arith.muli %add3A, %mul3A_43 : i32
    %dma_start3A_45 = arith.constant 0 : i32
    %dma_start3A_46 = arith.constant 0 : i32
    %dma_start3A_47 = tpu.memref_slice %arg8[%dma_start3A_45, %dma_start3A_46] : memref<256x128xf32, #tpu.memory_space<vmem>> -> memref<128x128xf32, #tpu.memory_space<vmem>>
    %dma_start3A_48 = arith.constant 0 : i32
    %dma_start3A_49 = tpu.memref_slice %arg4[%mul3A_44, %dma_start3A_48] : memref<8192x128xf32, #tpu.memory_space<hbm>> -> memref<128x128xf32, #tpu.memory_space<hbm>>
    %dma_start3A_50 = arith.constant 0 : i32
    %dma_start3A_51 = tpu.memref_slice %arg4[%mul3A_44, %dma_start3A_50] : memref<8192x128xf32, #tpu.memory_space<hbm>> -> memref<128x128xf32, #tpu.memory_space<hbm>>
    %dma_start3A_52 = arith.constant 0 : i32
    %dma_start3A_53 = arith.constant 0 : i32
    %dma_start3A_54 = tpu.memref_slice %arg8[%dma_start3A_52, %dma_start3A_53] : memref<256x128xf32, #tpu.memory_space<vmem>> -> memref<128x128xf32, #tpu.memory_space<vmem>>
    tpu.enqueue_dma source(%dma_start3A_54 : memref<128x128xf32, #tpu.memory_space<vmem>>) target(%dma_start3A_51 : memref<128x128xf32, #tpu.memory_space<hbm>>) target_semaphore(%arg12 : memref<!tpu.dma_semaphore, #tpu.memory_space<semaphore_mem>>)
    %sub3A_55 = arith.constant 63 : i32
    %sub3A_56 = arith.subi %sub3A_55, %add3A : i32
    %while3A_57 = arith.constant 0 : i32
    %while3A_58 = arith.constant 64 : i32
    %while3A_59 = arith.subi %while3A_58, %sub3A_56 : i32
    %while3A_60 = arith.addi %sub3A_56, %while3A_59 : i32
    %while3A_61 = arith.constant 1 : i32
    %while3A_62 = arith.divsi %while3A_59, %while3A_61 : i32
    %while3A_63 = arith.muli %while3A_62, %while3A_61 : i32
    %while3A_64 = arith.addi %sub3A_56, %while3A_63 : i32
    %while3A_65 = arith.constant 1 : i32
    scf.for %while3A_103 = %sub3A_56 to %while3A_64 step %while3A_65  : i32 {
      %mul3A_104 = arith.constant 16 : i32
      %mul3A_105 = arith.muli %while3A_103, %mul3A_104 : i32
      %get3A = arith.index_cast %mul3A_105 : i32 to index
      %get3A_106 = tpu.vector_load %arg5[%get3A] {strides = array<i32>} : memref<1024xi32, #tpu.memory_space<vmem>>, vector<16xi32>,
      %jit3A = arith.constant 8 : i32
      %div3A = arith.divsi %while3A_103, %jit3A : i32
      %sign3A = arith.constant 0 : i32
      %sign3A_107 = arith.cmpi sgt, %while3A_103, %sign3A : i32
      %sign3A_108 = arith.extui %sign3A_107 : i1 to i32
      %sign3A_109 = arith.constant 0 : i32
      %sign3A_110 = arith.cmpi slt, %while3A_103, %sign3A_109 : i32
      %sign3A_111 = arith.extui %sign3A_110 : i1 to i32
      %sign3A_112 = arith.subi %sign3A_108, %sign3A_111 : i32
      %sign3A_113 = arith.constant 0 : i32
      %sign3A_114 = arith.cmpi sgt, %jit3A, %sign3A_113 : i32
      %sign3A_115 = arith.extui %sign3A_114 : i1 to i32
      %sign3A_116 = arith.constant 0 : i32
      %sign3A_117 = arith.cmpi slt, %jit3A, %sign3A_116 : i32
      %sign3A_118 = arith.extui %sign3A_117 : i1 to i32
      %sign3A_119 = arith.subi %sign3A_115, %sign3A_118 : i32
      %ne3A = arith.cmpi ne, %sign3A_112, %sign3A_119 : i32
      %rem3A = arith.remsi %while3A_103, %jit3A : i32
      %ne3A_120 = arith.constant 0 : i32
      %ne3A_121 = arith.cmpi ne, %rem3A, %ne3A_120 : i32
      %and3A = arith.andi %ne3A, %ne3A_121 : i1
      %sub3A_122 = arith.constant 1 : i32
      %sub3A_123 = arith.subi %div3A, %sub3A_122 : i32
      %select_n3A = arith.select %and3A, %sub3A_123, %div3A : i32
      %mul3A_124 = arith.constant 8 : i32
      %mul3A_125 = arith.muli %mul3A_124, %select_n3A : i32
      %jit3A_126 = arith.constant 8 : i32
      %eq3A = arith.constant 0 : i32
      %eq3A_127 = arith.cmpi eq, %jit3A_126, %eq3A : i32
      %jit3A_128 = arith.constant 1 : i32
      %select_n3A_129 = arith.select %eq3A_127, %jit3A_128, %jit3A_126 : i32
      %rem3A_130 = arith.remsi %while3A_103, %select_n3A_129 : i32
      %ne3A_131 = arith.constant 0 : i32
      %ne3A_132 = arith.cmpi ne, %rem3A_130, %ne3A_131 : i32
      %lt3A = arith.constant 0 : i32
      %lt3A_133 = arith.cmpi slt, %rem3A_130, %lt3A : i32
      %lt3A_134 = arith.constant 0 : i32
      %lt3A_135 = arith.cmpi slt, %select_n3A_129, %lt3A_134 : i32
      %ne3A_136 = arith.xori %lt3A_133, %lt3A_135 : i1
      %and3A_137 = arith.andi %ne3A_136, %ne3A_132 : i1
      %add3A_138 = arith.addi %rem3A_130, %select_n3A_129 : i32
      %select_n3A_139 = arith.select %and3A_137, %add3A_138, %rem3A_130 : i32
      %mul3A_140 = arith.constant 16 : i32
      %mul3A_141 = arith.muli %mul3A_140, %select_n3A_139 : i32
      %parallel_loop3A = arith.constant 0 : i32
      %parallel_loop3A_142 = arith.constant 16 : i32
      %parallel_loop3A_143 = arith.constant 1 : i32
      scf.for %parallel_loop3A_144 = %parallel_loop3A to %parallel_loop3A_142 step %parallel_loop3A_143  : i32 {
        %parallel_loop3A_145 = arith.constant 16 : i32
        %parallel_loop3A_146 = arith.addi %parallel_loop3A_145, %parallel_loop3A_144 : i32
        %parallel_loop3A_147 = vector.broadcast %parallel_loop3A_146 : i32 to vector<16xi32>
        %parallel_loop3A_148 = tpu.vector_load_idx %arg7[%parallel_loop3A_147, %get3A_106] : memref<32x1000xf32, #tpu.memory_space<vmem>>[vector<16xi32>, vector<16xi32>], vector<16xf32>,
        %parallel_loop3A_149 = arith.constant 128 : i32
        %parallel_loop3A_150 = arith.addi %parallel_loop3A_149, %mul3A_125 : i32
        %parallel_loop3A_151 = arith.constant 8 : i32
        %parallel_loop3A_152 = arith.divsi %parallel_loop3A_144, %parallel_loop3A_151 : i32
        %parallel_loop3A_153 = arith.constant 0 : i32
        %parallel_loop3A_154 = arith.cmpi sgt, %parallel_loop3A_144, %parallel_loop3A_153 : i32
        %parallel_loop3A_155 = arith.extui %parallel_loop3A_154 : i1 to i32
        %parallel_loop3A_156 = arith.constant 0 : i32
        %parallel_loop3A_157 = arith.cmpi slt, %parallel_loop3A_144, %parallel_loop3A_156 : i32
        %parallel_loop3A_158 = arith.extui %parallel_loop3A_157 : i1 to i32
        %parallel_loop3A_159 = arith.subi %parallel_loop3A_155, %parallel_loop3A_158 : i32
        %parallel_loop3A_160 = arith.constant 0 : i32
        %parallel_loop3A_161 = arith.cmpi sgt, %parallel_loop3A_151, %parallel_loop3A_160 : i32
        %parallel_loop3A_162 = arith.extui %parallel_loop3A_161 : i1 to i32
        %parallel_loop3A_163 = arith.constant 0 : i32
        %parallel_loop3A_164 = arith.cmpi slt, %parallel_loop3A_151, %parallel_loop3A_163 : i32
        %parallel_loop3A_165 = arith.extui %parallel_loop3A_164 : i1 to i32
        %parallel_loop3A_166 = arith.subi %parallel_loop3A_162, %parallel_loop3A_165 : i32
        %parallel_loop3A_167 = arith.cmpi ne, %parallel_loop3A_159, %parallel_loop3A_166 : i32
        %parallel_loop3A_168 = arith.remsi %parallel_loop3A_144, %parallel_loop3A_151 : i32
        %parallel_loop3A_169 = arith.constant 0 : i32
        %parallel_loop3A_170 = arith.cmpi ne, %parallel_loop3A_168, %parallel_loop3A_169 : i32
        %parallel_loop3A_171 = arith.andi %parallel_loop3A_167, %parallel_loop3A_170 : i1
        %parallel_loop3A_172 = arith.constant 1 : i32
        %parallel_loop3A_173 = arith.subi %parallel_loop3A_152, %parallel_loop3A_172 : i32
        %parallel_loop3A_174 = arith.select %parallel_loop3A_171, %parallel_loop3A_173, %parallel_loop3A_152 : i32
        %parallel_loop3A_175 = arith.constant 64 : i32
        %parallel_loop3A_176 = arith.muli %parallel_loop3A_175, %parallel_loop3A_174 : i32
        %parallel_loop3A_177 = arith.addi %parallel_loop3A_150, %parallel_loop3A_176 : i32
        %parallel_loop3A_178 = arith.constant 8 : i32
        %parallel_loop3A_179 = arith.constant 0 : i32
        %parallel_loop3A_180 = arith.cmpi eq, %parallel_loop3A_178, %parallel_loop3A_179 : i32
        %parallel_loop3A_181 = arith.constant 1 : i32
        %parallel_loop3A_182 = arith.select %parallel_loop3A_180, %parallel_loop3A_181, %parallel_loop3A_178 : i32
        %parallel_loop3A_183 = arith.remsi %parallel_loop3A_144, %parallel_loop3A_182 : i32
        %parallel_loop3A_184 = arith.constant 0 : i32
        %parallel_loop3A_185 = arith.cmpi ne, %parallel_loop3A_183, %parallel_loop3A_184 : i32
        %parallel_loop3A_186 = arith.constant 0 : i32
        %parallel_loop3A_187 = arith.cmpi slt, %parallel_loop3A_183, %parallel_loop3A_186 : i32
        %parallel_loop3A_188 = arith.constant 0 : i32
        %parallel_loop3A_189 = arith.cmpi slt, %parallel_loop3A_182, %parallel_loop3A_188 : i32
        %parallel_loop3A_190 = arith.xori %parallel_loop3A_187, %parallel_loop3A_189 : i1
        %parallel_loop3A_191 = arith.andi %parallel_loop3A_190, %parallel_loop3A_185 : i1
        %parallel_loop3A_192 = arith.addi %parallel_loop3A_183, %parallel_loop3A_182 : i32
        %parallel_loop3A_193 = arith.select %parallel_loop3A_191, %parallel_loop3A_192, %parallel_loop3A_183 : i32
        %parallel_loop3A_194 = arith.addi %parallel_loop3A_177, %parallel_loop3A_193 : i32
        %parallel_loop3A_195 = arith.index_cast %parallel_loop3A_194 : i32 to index
        %parallel_loop3A_196 = arith.index_cast %mul3A_141 : i32 to index
        %parallel_loop3A_197 = tpu.vector_load %arg8[%parallel_loop3A_195, %parallel_loop3A_196] {strides = array<i32>} : memref<256x128xf32, #tpu.memory_space<vmem>>, vector<16xf32>,
        tpu.vector_store %arg8[%parallel_loop3A_195, %parallel_loop3A_196], %parallel_loop3A_148 {strides = array<i32>} : memref<256x128xf32, #tpu.memory_space<vmem>>, vector<16xf32>,
      } {sc.loop_unroll_factor = 8 : i64, sc.parallel_access}
    }
    %while3A_66 = arith.constant 1 : i32
    scf.for %while3A_103 = %while3A_64 to %while3A_60 step %while3A_66  : i32 {
      %mul3A_104 = arith.constant 16 : i32
      %mul3A_105 = arith.muli %while3A_103, %mul3A_104 : i32
      %get3A = arith.index_cast %mul3A_105 : i32 to index
      %get3A_106 = tpu.vector_load %arg5[%get3A] {strides = array<i32>} : memref<1024xi32, #tpu.memory_space<vmem>>, vector<16xi32>,
      %jit3A = arith.constant 8 : i32
      %div3A = arith.divsi %while3A_103, %jit3A : i32
      %sign3A = arith.constant 0 : i32
      %sign3A_107 = arith.cmpi sgt, %while3A_103, %sign3A : i32
      %sign3A_108 = arith.extui %sign3A_107 : i1 to i32
      %sign3A_109 = arith.constant 0 : i32
      %sign3A_110 = arith.cmpi slt, %while3A_103, %sign3A_109 : i32
      %sign3A_111 = arith.extui %sign3A_110 : i1 to i32
      %sign3A_112 = arith.subi %sign3A_108, %sign3A_111 : i32
      %sign3A_113 = arith.constant 0 : i32
      %sign3A_114 = arith.cmpi sgt, %jit3A, %sign3A_113 : i32
      %sign3A_115 = arith.extui %sign3A_114 : i1 to i32
      %sign3A_116 = arith.constant 0 : i32
      %sign3A_117 = arith.cmpi slt, %jit3A, %sign3A_116 : i32
      %sign3A_118 = arith.extui %sign3A_117 : i1 to i32
      %sign3A_119 = arith.subi %sign3A_115, %sign3A_118 : i32
      %ne3A = arith.cmpi ne, %sign3A_112, %sign3A_119 : i32
      %rem3A = arith.remsi %while3A_103, %jit3A : i32
      %ne3A_120 = arith.constant 0 : i32
      %ne3A_121 = arith.cmpi ne, %rem3A, %ne3A_120 : i32
      %and3A = arith.andi %ne3A, %ne3A_121 : i1
      %sub3A_122 = arith.constant 1 : i32
      %sub3A_123 = arith.subi %div3A, %sub3A_122 : i32
      %select_n3A = arith.select %and3A, %sub3A_123, %div3A : i32
      %mul3A_124 = arith.constant 8 : i32
      %mul3A_125 = arith.muli %mul3A_124, %select_n3A : i32
      %jit3A_126 = arith.constant 8 : i32
      %eq3A = arith.constant 0 : i32
      %eq3A_127 = arith.cmpi eq, %jit3A_126, %eq3A : i32
      %jit3A_128 = arith.constant 1 : i32
      %select_n3A_129 = arith.select %eq3A_127, %jit3A_128, %jit3A_126 : i32
      %rem3A_130 = arith.remsi %while3A_103, %select_n3A_129 : i32
      %ne3A_131 = arith.constant 0 : i32
      %ne3A_132 = arith.cmpi ne, %rem3A_130, %ne3A_131 : i32
      %lt3A = arith.constant 0 : i32
      %lt3A_133 = arith.cmpi slt, %rem3A_130, %lt3A : i32
      %lt3A_134 = arith.constant 0 : i32
      %lt3A_135 = arith.cmpi slt, %select_n3A_129, %lt3A_134 : i32
      %ne3A_136 = arith.xori %lt3A_133, %lt3A_135 : i1
      %and3A_137 = arith.andi %ne3A_136, %ne3A_132 : i1
      %add3A_138 = arith.addi %rem3A_130, %select_n3A_129 : i32
      %select_n3A_139 = arith.select %and3A_137, %add3A_138, %rem3A_130 : i32
      %mul3A_140 = arith.constant 16 : i32
      %mul3A_141 = arith.muli %mul3A_140, %select_n3A_139 : i32
      %parallel_loop3A = arith.constant 0 : i32
      %parallel_loop3A_142 = arith.constant 16 : i32
      %parallel_loop3A_143 = arith.constant 1 : i32
      scf.for %parallel_loop3A_144 = %parallel_loop3A to %parallel_loop3A_142 step %parallel_loop3A_143  : i32 {
        %parallel_loop3A_145 = arith.constant 16 : i32
        %parallel_loop3A_146 = arith.addi %parallel_loop3A_145, %parallel_loop3A_144 : i32
        %parallel_loop3A_147 = vector.broadcast %parallel_loop3A_146 : i32 to vector<16xi32>
        %parallel_loop3A_148 = tpu.vector_load_idx %arg7[%parallel_loop3A_147, %get3A_106] : memref<32x1000xf32, #tpu.memory_space<vmem>>[vector<16xi32>, vector<16xi32>], vector<16xf32>,
        %parallel_loop3A_149 = arith.constant 128 : i32
        %parallel_loop3A_150 = arith.addi %parallel_loop3A_149, %mul3A_125 : i32
        %parallel_loop3A_151 = arith.constant 8 : i32
        %parallel_loop3A_152 = arith.divsi %parallel_loop3A_144, %parallel_loop3A_151 : i32
        %parallel_loop3A_153 = arith.constant 0 : i32
        %parallel_loop3A_154 = arith.cmpi sgt, %parallel_loop3A_144, %parallel_loop3A_153 : i32
        %parallel_loop3A_155 = arith.extui %parallel_loop3A_154 : i1 to i32
        %parallel_loop3A_156 = arith.constant 0 : i32
        %parallel_loop3A_157 = arith.cmpi slt, %parallel_loop3A_144, %parallel_loop3A_156 : i32
        %parallel_loop3A_158 = arith.extui %parallel_loop3A_157 : i1 to i32
        %parallel_loop3A_159 = arith.subi %parallel_loop3A_155, %parallel_loop3A_158 : i32
        %parallel_loop3A_160 = arith.constant 0 : i32
        %parallel_loop3A_161 = arith.cmpi sgt, %parallel_loop3A_151, %parallel_loop3A_160 : i32
        %parallel_loop3A_162 = arith.extui %parallel_loop3A_161 : i1 to i32
        %parallel_loop3A_163 = arith.constant 0 : i32
        %parallel_loop3A_164 = arith.cmpi slt, %parallel_loop3A_151, %parallel_loop3A_163 : i32
        %parallel_loop3A_165 = arith.extui %parallel_loop3A_164 : i1 to i32
        %parallel_loop3A_166 = arith.subi %parallel_loop3A_162, %parallel_loop3A_165 : i32
        %parallel_loop3A_167 = arith.cmpi ne, %parallel_loop3A_159, %parallel_loop3A_166 : i32
        %parallel_loop3A_168 = arith.remsi %parallel_loop3A_144, %parallel_loop3A_151 : i32
        %parallel_loop3A_169 = arith.constant 0 : i32
        %parallel_loop3A_170 = arith.cmpi ne, %parallel_loop3A_168, %parallel_loop3A_169 : i32
        %parallel_loop3A_171 = arith.andi %parallel_loop3A_167, %parallel_loop3A_170 : i1
        %parallel_loop3A_172 = arith.constant 1 : i32
        %parallel_loop3A_173 = arith.subi %parallel_loop3A_152, %parallel_loop3A_172 : i32
        %parallel_loop3A_174 = arith.select %parallel_loop3A_171, %parallel_loop3A_173, %parallel_loop3A_152 : i32
        %parallel_loop3A_175 = arith.constant 64 : i32
        %parallel_loop3A_176 = arith.muli %parallel_loop3A_175, %parallel_loop3A_174 : i32
        %parallel_loop3A_177 = arith.addi %parallel_loop3A_150, %parallel_loop3A_176 : i32
        %parallel_loop3A_178 = arith.constant 8 : i32
        %parallel_loop3A_179 = arith.constant 0 : i32
        %parallel_loop3A_180 = arith.cmpi eq, %parallel_loop3A_178, %parallel_loop3A_179 : i32
        %parallel_loop3A_181 = arith.constant 1 : i32
        %parallel_loop3A_182 = arith.select %parallel_loop3A_180, %parallel_loop3A_181, %parallel_loop3A_178 : i32
        %parallel_loop3A_183 = arith.remsi %parallel_loop3A_144, %parallel_loop3A_182 : i32
        %parallel_loop3A_184 = arith.constant 0 : i32
        %parallel_loop3A_185 = arith.cmpi ne, %parallel_loop3A_183, %parallel_loop3A_184 : i32
        %parallel_loop3A_186 = arith.constant 0 : i32
        %parallel_loop3A_187 = arith.cmpi slt, %parallel_loop3A_183, %parallel_loop3A_186 : i32
        %parallel_loop3A_188 = arith.constant 0 : i32
        %parallel_loop3A_189 = arith.cmpi slt, %parallel_loop3A_182, %parallel_loop3A_188 : i32
        %parallel_loop3A_190 = arith.xori %parallel_loop3A_187, %parallel_loop3A_189 : i1
        %parallel_loop3A_191 = arith.andi %parallel_loop3A_190, %parallel_loop3A_185 : i1
        %parallel_loop3A_192 = arith.addi %parallel_loop3A_183, %parallel_loop3A_182 : i32
        %parallel_loop3A_193 = arith.select %parallel_loop3A_191, %parallel_loop3A_192, %parallel_loop3A_183 : i32
        %parallel_loop3A_194 = arith.addi %parallel_loop3A_177, %parallel_loop3A_193 : i32
        %parallel_loop3A_195 = arith.index_cast %parallel_loop3A_194 : i32 to index
        %parallel_loop3A_196 = arith.index_cast %mul3A_141 : i32 to index
        %parallel_loop3A_197 = tpu.vector_load %arg8[%parallel_loop3A_195, %parallel_loop3A_196] {strides = array<i32>} : memref<256x128xf32, #tpu.memory_space<vmem>>, vector<16xf32>,
        tpu.vector_store %arg8[%parallel_loop3A_195, %parallel_loop3A_196], %parallel_loop3A_148 {strides = array<i32>} : memref<256x128xf32, #tpu.memory_space<vmem>>, vector<16xf32>,
      } {sc.loop_unroll_factor = 8 : i64, sc.parallel_access}
    }
    %mul3A_67 = arith.constant 2 : i32
    %mul3A_68 = arith.muli %mul3A_67, %add3A : i32
    %sub3A_69 = arith.constant 126 : i32
    %sub3A_70 = arith.subi %sub3A_69, %mul3A_68 : i32
    %mul3A_71 = arith.constant 64 : i32
    %mul3A_72 = arith.muli %mul3A_71, %sub3A_70 : i32
    %dma_start3A_73 = arith.constant 128 : i32
    %dma_start3A_74 = arith.constant 0 : i32
    %dma_start3A_75 = tpu.memref_slice %arg8[%dma_start3A_73, %dma_start3A_74] : memref<256x128xf32, #tpu.memory_space<vmem>> -> memref<128x128xf32, #tpu.memory_space<vmem>>
    %dma_start3A_76 = arith.constant 0 : i32
    %dma_start3A_77 = tpu.memref_slice %arg4[%mul3A_72, %dma_start3A_76] : memref<8192x128xf32, #tpu.memory_space<hbm>> -> memref<128x128xf32, #tpu.memory_space<hbm>>
    %dma_start3A_78 = arith.constant 0 : i32
    %dma_start3A_79 = tpu.memref_slice %arg4[%mul3A_72, %dma_start3A_78] : memref<8192x128xf32, #tpu.memory_space<hbm>> -> memref<128x128xf32, #tpu.memory_space<hbm>>
    %dma_start3A_80 = arith.constant 128 : i32
    %dma_start3A_81 = arith.constant 0 : i32
    %dma_start3A_82 = tpu.memref_slice %arg8[%dma_start3A_80, %dma_start3A_81] : memref<256x128xf32, #tpu.memory_space<vmem>> -> memref<128x128xf32, #tpu.memory_space<vmem>>
    tpu.enqueue_dma source(%dma_start3A_82 : memref<128x128xf32, #tpu.memory_space<vmem>>) target(%dma_start3A_79 : memref<128x128xf32, #tpu.memory_space<hbm>>) target_semaphore(%arg12 : memref<!tpu.dma_semaphore, #tpu.memory_space<semaphore_mem>>)
    %dma_wait3A_83 = arith.constant 0 : i32
    %dma_wait3A_84 = arith.constant 0 : i32
    %dma_wait3A_85 = tpu.memref_slice %arg8[%dma_wait3A_83, %dma_wait3A_84] : memref<256x128xf32, #tpu.memory_space<vmem>> -> memref<128x128xf32, #tpu.memory_space<vmem>>
    %dma_wait3A_86 = arith.constant 0 : i32
    %dma_wait3A_87 = tpu.memref_slice %arg4[%mul3A_44, %dma_wait3A_86] : memref<8192x128xf32, #tpu.memory_space<hbm>> -> memref<128x128xf32, #tpu.memory_space<hbm>>
    %dma_wait3A_88 = arith.constant 0 : i32
    %dma_wait3A_89 = tpu.memref_slice %arg4[%mul3A_44, %dma_wait3A_88] : memref<8192x128xf32, #tpu.memory_space<hbm>> -> memref<128x128xf32, #tpu.memory_space<hbm>>
    %dma_wait3A_90 = arith.constant 0 : i32
    %dma_wait3A_91 = arith.constant 0 : i32
    %dma_wait3A_92 = tpu.memref_slice %arg8[%dma_wait3A_90, %dma_wait3A_91] : memref<256x128xf32, #tpu.memory_space<vmem>> -> memref<128x128xf32, #tpu.memory_space<vmem>>
    tpu.wait_dma2 semaphore(%arg12 : memref<!tpu.dma_semaphore, #tpu.memory_space<semaphore_mem>>) src(%dma_wait3A_92 : memref<128x128xf32, #tpu.memory_space<vmem>>) dst(%dma_wait3A_89 : memref<128x128xf32, #tpu.memory_space<hbm>>)
    %dma_wait3A_93 = arith.constant 128 : i32
    %dma_wait3A_94 = arith.constant 0 : i32
    %dma_wait3A_95 = tpu.memref_slice %arg8[%dma_wait3A_93, %dma_wait3A_94] : memref<256x128xf32, #tpu.memory_space<vmem>> -> memref<128x128xf32, #tpu.memory_space<vmem>>
    %dma_wait3A_96 = arith.constant 0 : i32
    %dma_wait3A_97 = tpu.memref_slice %arg4[%mul3A_72, %dma_wait3A_96] : memref<8192x128xf32, #tpu.memory_space<hbm>> -> memref<128x128xf32, #tpu.memory_space<hbm>>
    %dma_wait3A_98 = arith.constant 0 : i32
    %dma_wait3A_99 = tpu.memref_slice %arg4[%mul3A_72, %dma_wait3A_98] : memref<8192x128xf32, #tpu.memory_space<hbm>> -> memref<128x128xf32, #tpu.memory_space<hbm>>
    %dma_wait3A_100 = arith.constant 128 : i32
    %dma_wait3A_101 = arith.constant 0 : i32
    %dma_wait3A_102 = tpu.memref_slice %arg8[%dma_wait3A_100, %dma_wait3A_101] : memref<256x128xf32, #tpu.memory_space<vmem>> -> memref<128x128xf32, #tpu.memory_space<vmem>>
    tpu.wait_dma2 semaphore(%arg12 : memref<!tpu.dma_semaphore, #tpu.memory_space<semaphore_mem>>) src(%dma_wait3A_102 : memref<128x128xf32, #tpu.memory_space<vmem>>) dst(%dma_wait3A_99 : memref<128x128xf32, #tpu.memory_space<hbm>>)
    return
  }
}

module attributes {stable_mosaic.version = 14 : i64} {
  func.func @_tc_loss_body(%arg0: memref<1024x64xf32, #tpu.memory_space<vmem>>, %arg1: memref<8192x128xf32, #tpu.memory_space<vmem>>, %arg2: memref<1x1xf32, #tpu.memory_space<smem>>) attributes {dimension_semantics = [], scalar_prefetch = 0 : i64, scratch_operands = 0 : i64, tpu.core_type = #tpu.core_type<tc>} {
    %get3A = arith.constant 0 : index
    %get3A_0 = arith.constant 0 : index
    %get3A_1 = vector.load %arg0[%get3A, %get3A_0] : memref<1024x64xf32, #tpu.memory_space<vmem>>, vector<1024x64xf32>
    %iota3A = tpu.iota {dimensions = array<i32: 1>} : vector<1024x64xi32>
    %lt3A = arith.constant 48 : i32
    %lt3A_2 = vector.broadcast %lt3A : i32 to vector<1024x64xi32>
    %lt3A_3 = arith.cmpi slt, %iota3A, %lt3A_2 : vector<1024x64xi32>
    %jit3A = arith.constant 0.000000e+00 : f32
    %broadcast_in_dim3A = vector.broadcast %jit3A : f32 to vector<1024x64xf32>
    %select_n3A = arith.select %lt3A_3, %get3A_1, %broadcast_in_dim3A : vector<1024x64xi1>, vector<1024x64xf32>
    %mul3A = arith.mulf %select_n3A, %select_n3A : vector<1024x64xf32>
    %reduce_sum3A = arith.constant dense<0.000000e+00> : vector<1024xf32>
    %reduce_sum3A_4 = vector.multi_reduction <add>, %mul3A, %reduce_sum3A [1] : vector<1024x64xf32> to vector<1024xf32>
    %broadcast_in_dim3A_5 = vector.shape_cast %reduce_sum3A_4 : vector<1024xf32> to vector<1024x1xf32>
    %sqrt3A = math.sqrt %broadcast_in_dim3A_5 : vector<1024x1xf32>
    %max3A = arith.constant 9.99999993E-9 : f32
    %max3A_6 = vector.broadcast %max3A : f32 to vector<1024x1xf32>
    %max3A_7 = arith.maximumf %sqrt3A, %max3A_6 : vector<1024x1xf32>
    %div3A = arith.constant 1.000000e+00 : f32
    %div3A_8 = vector.broadcast %div3A : f32 to vector<1024x1xf32>
    %div3A_9 = arith.divf %div3A_8, %max3A_7 : vector<1024x1xf32>
    %mul3A_10 = vector.broadcast %div3A_9 : vector<1024x1xf32> to vector<1024x64xf32>
    %mul3A_11 = arith.mulf %select_n3A, %mul3A_10 : vector<1024x64xf32>
    %slice3A = vector.extract_strided_slice %mul3A_11 {offsets = [0, 0], sizes = [128, 64], strides = [1, 1]} : vector<1024x64xf32> to vector<128x64xf32>
    %dot_general3A = arith.constant dense<0.000000e+00> : vector<1024x128xf32>
    %dot_general3A_12 = tpu.matmul %mul3A_11, %slice3A, %dot_general3A {dimension_numbers = #tpu.dot_dimension_numbers<[1], [1], [0], [0], [0, 0, 1, 0], [], []>, transpose_lhs_hint = false} : vector<1024x64xf32>, vector<128x64xf32>, vector<1024x128xf32> -> vector<1024x128xf32>
    %reshape3A = vector.shape_cast %dot_general3A_12 : vector<1024x128xf32> to vector<128x1x8x128xf32>
    %slice3A_13 = vector.extract_strided_slice %mul3A_11 {offsets = [128, 0], sizes = [128, 64], strides = [1, 1]} : vector<1024x64xf32> to vector<128x64xf32>
    %dot_general3A_14 = arith.constant dense<0.000000e+00> : vector<1024x128xf32>
    %dot_general3A_15 = tpu.matmul %mul3A_11, %slice3A_13, %dot_general3A_14 {dimension_numbers = #tpu.dot_dimension_numbers<[1], [1], [0], [0], [0, 0, 1, 0], [], []>, transpose_lhs_hint = false} : vector<1024x64xf32>, vector<128x64xf32>, vector<1024x128xf32> -> vector<1024x128xf32>
    %reshape3A_16 = vector.shape_cast %dot_general3A_15 : vector<1024x128xf32> to vector<128x1x8x128xf32>
    %slice3A_17 = vector.extract_strided_slice %mul3A_11 {offsets = [256, 0], sizes = [128, 64], strides = [1, 1]} : vector<1024x64xf32> to vector<128x64xf32>
    %dot_general3A_18 = arith.constant dense<0.000000e+00> : vector<1024x128xf32>
    %dot_general3A_19 = tpu.matmul %mul3A_11, %slice3A_17, %dot_general3A_18 {dimension_numbers = #tpu.dot_dimension_numbers<[1], [1], [0], [0], [0, 0, 1, 0], [], []>, transpose_lhs_hint = false} : vector<1024x64xf32>, vector<128x64xf32>, vector<1024x128xf32> -> vector<1024x128xf32>
    %reshape3A_20 = vector.shape_cast %dot_general3A_19 : vector<1024x128xf32> to vector<128x1x8x128xf32>
    %slice3A_21 = vector.extract_strided_slice %mul3A_11 {offsets = [384, 0], sizes = [128, 64], strides = [1, 1]} : vector<1024x64xf32> to vector<128x64xf32>
    %dot_general3A_22 = arith.constant dense<0.000000e+00> : vector<1024x128xf32>
    %dot_general3A_23 = tpu.matmul %mul3A_11, %slice3A_21, %dot_general3A_22 {dimension_numbers = #tpu.dot_dimension_numbers<[1], [1], [0], [0], [0, 0, 1, 0], [], []>, transpose_lhs_hint = false} : vector<1024x64xf32>, vector<128x64xf32>, vector<1024x128xf32> -> vector<1024x128xf32>
    %reshape3A_24 = vector.shape_cast %dot_general3A_23 : vector<1024x128xf32> to vector<128x1x8x128xf32>
    %slice3A_25 = vector.extract_strided_slice %mul3A_11 {offsets = [512, 0], sizes = [128, 64], strides = [1, 1]} : vector<1024x64xf32> to vector<128x64xf32>
    %dot_general3A_26 = arith.constant dense<0.000000e+00> : vector<1024x128xf32>
    %dot_general3A_27 = tpu.matmul %mul3A_11, %slice3A_25, %dot_general3A_26 {dimension_numbers = #tpu.dot_dimension_numbers<[1], [1], [0], [0], [0, 0, 1, 0], [], []>, transpose_lhs_hint = false} : vector<1024x64xf32>, vector<128x64xf32>, vector<1024x128xf32> -> vector<1024x128xf32>
    %reshape3A_28 = vector.shape_cast %dot_general3A_27 : vector<1024x128xf32> to vector<128x1x8x128xf32>
    %slice3A_29 = vector.extract_strided_slice %mul3A_11 {offsets = [640, 0], sizes = [128, 64], strides = [1, 1]} : vector<1024x64xf32> to vector<128x64xf32>
    %dot_general3A_30 = arith.constant dense<0.000000e+00> : vector<1024x128xf32>
    %dot_general3A_31 = tpu.matmul %mul3A_11, %slice3A_29, %dot_general3A_30 {dimension_numbers = #tpu.dot_dimension_numbers<[1], [1], [0], [0], [0, 0, 1, 0], [], []>, transpose_lhs_hint = false} : vector<1024x64xf32>, vector<128x64xf32>, vector<1024x128xf32> -> vector<1024x128xf32>
    %reshape3A_32 = vector.shape_cast %dot_general3A_31 : vector<1024x128xf32> to vector<128x1x8x128xf32>
    %slice3A_33 = vector.extract_strided_slice %mul3A_11 {offsets = [768, 0], sizes = [128, 64], strides = [1, 1]} : vector<1024x64xf32> to vector<128x64xf32>
    %dot_general3A_34 = arith.constant dense<0.000000e+00> : vector<1024x128xf32>
    %dot_general3A_35 = tpu.matmul %mul3A_11, %slice3A_33, %dot_general3A_34 {dimension_numbers = #tpu.dot_dimension_numbers<[1], [1], [0], [0], [0, 0, 1, 0], [], []>, transpose_lhs_hint = false} : vector<1024x64xf32>, vector<128x64xf32>, vector<1024x128xf32> -> vector<1024x128xf32>
    %reshape3A_36 = vector.shape_cast %dot_general3A_35 : vector<1024x128xf32> to vector<128x1x8x128xf32>
    %slice3A_37 = vector.extract_strided_slice %mul3A_11 {offsets = [896, 0], sizes = [128, 64], strides = [1, 1]} : vector<1024x64xf32> to vector<128x64xf32>
    %dot_general3A_38 = arith.constant dense<0.000000e+00> : vector<1024x128xf32>
    %dot_general3A_39 = tpu.matmul %mul3A_11, %slice3A_37, %dot_general3A_38 {dimension_numbers = #tpu.dot_dimension_numbers<[1], [1], [0], [0], [0, 0, 1, 0], [], []>, transpose_lhs_hint = false} : vector<1024x64xf32>, vector<128x64xf32>, vector<1024x128xf32> -> vector<1024x128xf32>
    %reshape3A_40 = vector.shape_cast %dot_general3A_39 : vector<1024x128xf32> to vector<128x1x8x128xf32>
    %concatenate3A = tpu.concatenate %reshape3A, %reshape3A_16, %reshape3A_20, %reshape3A_24, %reshape3A_28, %reshape3A_32, %reshape3A_36, %reshape3A_40 in 1 : vector<128x1x8x128xf32>, vector<128x1x8x128xf32>, vector<128x1x8x128xf32>, vector<128x1x8x128xf32>, vector<128x1x8x128xf32>, vector<128x1x8x128xf32>, vector<128x1x8x128xf32>, vector<128x1x8x128xf32> -> vector<128x8x8x128xf32>
    %reshape3A_41 = vector.shape_cast %concatenate3A : vector<128x8x8x128xf32> to vector<8192x128xf32>
    %iota3A_42 = tpu.iota {dimensions = array<i32: 0>} : vector<8192x128xi32>
    %iota3A_43 = tpu.iota {dimensions = array<i32: 1>} : vector<8192x128xi32>
    %jit3A_44 = arith.constant 64 : i32
    %div3A_45 = vector.broadcast %jit3A_44 : i32 to vector<8192x128xi32>
    %div3A_46 = arith.divsi %iota3A_42, %div3A_45 : vector<8192x128xi32>
    %sign3A = arith.constant 0 : i32
    %sign3A_47 = vector.broadcast %sign3A : i32 to vector<8192x128xi32>
    %sign3A_48 = arith.cmpi sgt, %iota3A_42, %sign3A_47 : vector<8192x128xi32>
    %sign3A_49 = arith.extui %sign3A_48 : vector<8192x128xi1> to vector<8192x128xi32>
    %sign3A_50 = arith.constant 0 : i32
    %sign3A_51 = vector.broadcast %sign3A_50 : i32 to vector<8192x128xi32>
    %sign3A_52 = arith.cmpi slt, %iota3A_42, %sign3A_51 : vector<8192x128xi32>
    %sign3A_53 = arith.extui %sign3A_52 : vector<8192x128xi1> to vector<8192x128xi32>
    %sign3A_54 = arith.subi %sign3A_49, %sign3A_53 : vector<8192x128xi32>
    %sign3A_55 = arith.constant 0 : i32
    %sign3A_56 = arith.cmpi sgt, %jit3A_44, %sign3A_55 : i32
    %sign3A_57 = arith.extui %sign3A_56 : i1 to i32
    %sign3A_58 = arith.constant 0 : i32
    %sign3A_59 = arith.cmpi slt, %jit3A_44, %sign3A_58 : i32
    %sign3A_60 = arith.extui %sign3A_59 : i1 to i32
    %sign3A_61 = arith.subi %sign3A_57, %sign3A_60 : i32
    %ne3A = vector.broadcast %sign3A_61 : i32 to vector<8192x128xi32>
    %ne3A_62 = arith.cmpi ne, %sign3A_54, %ne3A : vector<8192x128xi32>
    %rem3A = vector.broadcast %jit3A_44 : i32 to vector<8192x128xi32>
    %rem3A_63 = arith.remsi %iota3A_42, %rem3A : vector<8192x128xi32>
    %ne3A_64 = arith.constant 0 : i32
    %ne3A_65 = vector.broadcast %ne3A_64 : i32 to vector<8192x128xi32>
    %ne3A_66 = arith.cmpi ne, %rem3A_63, %ne3A_65 : vector<8192x128xi32>
    %and3A = arith.andi %ne3A_62, %ne3A_66 : vector<8192x128xi1>
    %sub3A = arith.constant 1 : i32
    %sub3A_67 = vector.broadcast %sub3A : i32 to vector<8192x128xi32>
    %sub3A_68 = arith.subi %div3A_46, %sub3A_67 : vector<8192x128xi32>
    %select_n3A_69 = arith.select %and3A, %sub3A_68, %div3A_46 : vector<8192x128xi1>, vector<8192x128xi32>
    %mul3A_70 = arith.constant 8 : i32
    %mul3A_71 = vector.broadcast %mul3A_70 : i32 to vector<8192x128xi32>
    %mul3A_72 = arith.muli %mul3A_71, %select_n3A_69 : vector<8192x128xi32>
    %jit3A_73 = arith.constant 8 : i32
    %eq3A = arith.constant 0 : i32
    %eq3A_74 = arith.cmpi eq, %jit3A_73, %eq3A : i32
    %jit3A_75 = arith.constant 1 : i32
    %select_n3A_76 = arith.select %eq3A_74, %jit3A_75, %jit3A_73 : i32
    %rem3A_77 = vector.broadcast %select_n3A_76 : i32 to vector<8192x128xi32>
    %rem3A_78 = arith.remsi %iota3A_42, %rem3A_77 : vector<8192x128xi32>
    %ne3A_79 = arith.constant 0 : i32
    %ne3A_80 = vector.broadcast %ne3A_79 : i32 to vector<8192x128xi32>
    %ne3A_81 = arith.cmpi ne, %rem3A_78, %ne3A_80 : vector<8192x128xi32>
    %lt3A_82 = arith.constant 0 : i32
    %lt3A_83 = vector.broadcast %lt3A_82 : i32 to vector<8192x128xi32>
    %lt3A_84 = arith.cmpi slt, %rem3A_78, %lt3A_83 : vector<8192x128xi32>
    %lt3A_85 = arith.constant 0 : i32
    %lt3A_86 = arith.cmpi slt, %select_n3A_76, %lt3A_85 : i32
    %ne3A_87 = vector.broadcast %lt3A_86 : i1 to vector<8192x128xi1>
    %ne3A_88 = vector.broadcast %ne3A_87 : vector<8192x128xi1> to vector<8192x128xi1>
    %ne3A_89 = arith.xori %lt3A_84, %ne3A_88 : vector<8192x128xi1>
    %and3A_90 = arith.andi %ne3A_89, %ne3A_81 : vector<8192x128xi1>
    %add3A = vector.broadcast %select_n3A_76 : i32 to vector<8192x128xi32>
    %add3A_91 = arith.addi %rem3A_78, %add3A : vector<8192x128xi32>
    %select_n3A_92 = arith.select %and3A_90, %add3A_91, %rem3A_78 : vector<8192x128xi1>, vector<8192x128xi32>
    %add3A_93 = arith.addi %mul3A_72, %select_n3A_92 : vector<8192x128xi32>
    %jit3A_94 = arith.constant 8 : i32
    %div3A_95 = vector.broadcast %jit3A_94 : i32 to vector<8192x128xi32>
    %div3A_96 = arith.divsi %iota3A_42, %div3A_95 : vector<8192x128xi32>
    %sign3A_97 = arith.constant 0 : i32
    %sign3A_98 = vector.broadcast %sign3A_97 : i32 to vector<8192x128xi32>
    %sign3A_99 = arith.cmpi sgt, %iota3A_42, %sign3A_98 : vector<8192x128xi32>
    %sign3A_100 = arith.extui %sign3A_99 : vector<8192x128xi1> to vector<8192x128xi32>
    %sign3A_101 = arith.constant 0 : i32
    %sign3A_102 = vector.broadcast %sign3A_101 : i32 to vector<8192x128xi32>
    %sign3A_103 = arith.cmpi slt, %iota3A_42, %sign3A_102 : vector<8192x128xi32>
    %sign3A_104 = arith.extui %sign3A_103 : vector<8192x128xi1> to vector<8192x128xi32>
    %sign3A_105 = arith.subi %sign3A_100, %sign3A_104 : vector<8192x128xi32>
    %sign3A_106 = arith.constant 0 : i32
    %sign3A_107 = arith.cmpi sgt, %jit3A_94, %sign3A_106 : i32
    %sign3A_108 = arith.extui %sign3A_107 : i1 to i32
    %sign3A_109 = arith.constant 0 : i32
    %sign3A_110 = arith.cmpi slt, %jit3A_94, %sign3A_109 : i32
    %sign3A_111 = arith.extui %sign3A_110 : i1 to i32
    %sign3A_112 = arith.subi %sign3A_108, %sign3A_111 : i32
    %ne3A_113 = vector.broadcast %sign3A_112 : i32 to vector<8192x128xi32>
    %ne3A_114 = arith.cmpi ne, %sign3A_105, %ne3A_113 : vector<8192x128xi32>
    %rem3A_115 = vector.broadcast %jit3A_94 : i32 to vector<8192x128xi32>
    %rem3A_116 = arith.remsi %iota3A_42, %rem3A_115 : vector<8192x128xi32>
    %ne3A_117 = arith.constant 0 : i32
    %ne3A_118 = vector.broadcast %ne3A_117 : i32 to vector<8192x128xi32>
    %ne3A_119 = arith.cmpi ne, %rem3A_116, %ne3A_118 : vector<8192x128xi32>
    %and3A_120 = arith.andi %ne3A_114, %ne3A_119 : vector<8192x128xi1>
    %sub3A_121 = arith.constant 1 : i32
    %sub3A_122 = vector.broadcast %sub3A_121 : i32 to vector<8192x128xi32>
    %sub3A_123 = arith.subi %div3A_96, %sub3A_122 : vector<8192x128xi32>
    %select_n3A_124 = arith.select %and3A_120, %sub3A_123, %div3A_96 : vector<8192x128xi1>, vector<8192x128xi32>
    %jit3A_125 = arith.constant 8 : i32
    %eq3A_126 = arith.constant 0 : i32
    %eq3A_127 = arith.cmpi eq, %jit3A_125, %eq3A_126 : i32
    %jit3A_128 = arith.constant 1 : i32
    %select_n3A_129 = arith.select %eq3A_127, %jit3A_128, %jit3A_125 : i32
    %rem3A_130 = vector.broadcast %select_n3A_129 : i32 to vector<8192x128xi32>
    %rem3A_131 = arith.remsi %select_n3A_124, %rem3A_130 : vector<8192x128xi32>
    %ne3A_132 = arith.constant 0 : i32
    %ne3A_133 = vector.broadcast %ne3A_132 : i32 to vector<8192x128xi32>
    %ne3A_134 = arith.cmpi ne, %rem3A_131, %ne3A_133 : vector<8192x128xi32>
    %lt3A_135 = arith.constant 0 : i32
    %lt3A_136 = vector.broadcast %lt3A_135 : i32 to vector<8192x128xi32>
    %lt3A_137 = arith.cmpi slt, %rem3A_131, %lt3A_136 : vector<8192x128xi32>
    %lt3A_138 = arith.constant 0 : i32
    %lt3A_139 = arith.cmpi slt, %select_n3A_129, %lt3A_138 : i32
    %ne3A_140 = vector.broadcast %lt3A_139 : i1 to vector<8192x128xi1>
    %ne3A_141 = vector.broadcast %ne3A_140 : vector<8192x128xi1> to vector<8192x128xi1>
    %ne3A_142 = arith.xori %lt3A_137, %ne3A_141 : vector<8192x128xi1>
    %and3A_143 = arith.andi %ne3A_142, %ne3A_134 : vector<8192x128xi1>
    %add3A_144 = vector.broadcast %select_n3A_129 : i32 to vector<8192x128xi32>
    %add3A_145 = arith.addi %rem3A_131, %add3A_144 : vector<8192x128xi32>
    %select_n3A_146 = arith.select %and3A_143, %add3A_145, %rem3A_131 : vector<8192x128xi1>, vector<8192x128xi32>
    %mul3A_147 = arith.constant 128 : i32
    %mul3A_148 = vector.broadcast %mul3A_147 : i32 to vector<8192x128xi32>
    %mul3A_149 = arith.muli %mul3A_148, %select_n3A_146 : vector<8192x128xi32>
    %add3A_150 = arith.addi %mul3A_149, %iota3A_43 : vector<8192x128xi32>
    %get3A_151 = arith.constant 0 : index
    %get3A_152 = arith.constant 0 : index
    %get3A_153 = vector.load %arg1[%get3A_151, %get3A_152] : memref<8192x128xf32, #tpu.memory_space<vmem>>, vector<8192x128xf32>
    %sub3A_154 = arith.subf %reshape3A_41, %get3A_153 : vector<8192x128xf32>
    %abs3A = math.absf %sub3A_154 : vector<8192x128xf32>
    %gt3A = arith.cmpi sgt, %add3A_150, %add3A_93 : vector<8192x128xi32>
    %jit3A_155 = arith.constant 0.000000e+00 : f32
    %broadcast_in_dim3A_156 = vector.broadcast %jit3A_155 : f32 to vector<8192x128xf32>
    %select_n3A_157 = arith.select %gt3A, %abs3A, %broadcast_in_dim3A_156 : vector<8192x128xi1>, vector<8192x128xf32>
    %reduce_sum3A_158 = vector.shape_cast %select_n3A_157 : vector<8192x128xf32> to vector<1x8192x128xf32>
    %reduce_sum3A_159 = arith.constant dense<0.000000e+00> : vector<1xf32>
    %reduce_sum3A_160 = vector.multi_reduction <add>, %reduce_sum3A_158, %reduce_sum3A_159 [1, 2] : vector<1x8192x128xf32> to vector<1xf32>
    %reduce_sum3A_161 = vector.shape_cast %reduce_sum3A_160 : vector<1xf32> to vector<1x1x1xf32>
    %reduce_sum3A_162 = vector.extract %reduce_sum3A_161[0, 0, 0] : f32 from vector<1x1x1xf32>
    %mul3A_163 = arith.constant 1.9092131E-6 : f32
    %mul3A_164 = arith.mulf %reduce_sum3A_162, %mul3A_163 : f32
    %swap3A = arith.constant 0 : index
    %swap3A_165 = arith.constant 0 : index
    %swap3A_166 = memref.load %arg2[%swap3A, %swap3A_165] : memref<1x1xf32, #tpu.memory_space<smem>>
    memref.store %mul3A_164, %arg2[%swap3A, %swap3A_165] : memref<1x1xf32, #tpu.memory_space<smem>>
    return
  }
}

</mosaic_0001>

<sc_bundles>
// kernel: kernel.4.cloned.1.call-start
scs
__scs_entry_jumppad:
0x0: {  	(pc) =	sbr.rel $0x88, $3  }
0x1: {  	(tag) =	ssettag $0x0;
	lr =	simm.s32 $0x1  }
0x2: {  	[smem:$0x3F9E] =	sst lr;
	_ =	strace $0xD0000000  }
0x3: {  	_ = 	snop  }
0x4: {  	_ = 	snop  }
0x5: {  	_ = 	snop  }
0x6: {  	_ = 	snop  }
0x7: {  	_ = 	snop  }
__scs_overlays_trampoline_lowered:
0x8: {  	[smem:$0x3FAD] =	sst s0  }
0x9: {  	[smem:$0x3FAE] =	sst s1  }
0xa: {  	[smem:$0x3FAF] =	sst s2  }
0xb: {  	[smem:$0x3FB0] =	sst s3  }
0xc: {  	[smem:$0x3FB1] =	sst s4  }
0xd: {  	[smem:$0x3FB2] =	sst s5  }
0xe: {  	[smem:$0x3FB3] =	sst s6  }
0xf: {  	[smem:$0x3FB4] =	sst s7  }
0x10: {  	[smem:$0x3FB5] =	sst s8  }
0x11: {  	[smem:$0x3FB6] =	sst s9;
	s0 =	simm.s32 @!p0 $0x0  }
0x12: {  	s1 =	sld [smem:$0x3F9C];
	s0 =	simm.s32 @p0 $0x1  }
0x13: {  	[smem:$0x3FB7] =	sst s0;
	s0 =	simm.s32 @!p1 $0x0  }
0x14: {  	s2 =	sld [smem:$0x3F9B];
	s0 =	simm.s32 @p1 $0x1  }
0x15: {  	[smem:$0x3FB8] =	sst s0;
	s0 =	simm.s32 @!p2 $0x0  }
0x16: {  	s3 =	sld [smem:$0x3FDB];
	s0 =	simm.s32 @p2 $0x1  }
0x17: {  	s4 =	simm.s32 $0x1BF5;
	[smem:$0x3FBA] =	sst s0  }
0x18: {  	s0 =	sld [smem:$0x3F9D];
	_ =	swait.ge [sflag:s4], $0x0  }
0x19: {  	s7 =	sld [smem:$0x3F9E]  }
0x1a: {  	s8 =	sadd.s32 $0xFFFFE003, lr  }
0x1b: {  	s9 =	sadd.s32 $0xFFFFFEF7, lr;
	s5 =	simm.s32 $0xFFFFFFFF;
	p2 =	slt.u32 s8, $0xFFFFF086  }
0x1c: {  	p1 =	slt.u32 s9, $0xF7A;
	s5 =	simm.s32 @!p2 $0x0  }
0x1d: {  	s5 =	simm.s32 @p1 $0x1;
	p0 =	seq.s32 s7, s2  }
0x1e: {  	s7 =	smul.u32 @!p0 $0xF7A, s2;
	p2 =	seq.s32 @!p0 s5, $0x0  }
0x1f: {  	s9 =	smul.u32 $0xF7A, s1;
	s8 =	simm.s32 @!p0 $0x1BF5;
	p2 =	por !p2, p0  }
0x20: {  	[sflag:s8] =	ssyncset.s32 @!p0 $0xFFFFF086;
	s6 =	sadd.s32 @!p0 s3, s7;
	s7 =	simm.s32 @!p0 $0x108  }
0x21: {  	s3 =	sadd.s32 s3, s9;
	s6 =	sadd.s32 @!p0 $0x88, s6;
	s7 =	simm.s32 @p2 $0x1082  }
0x22: {  	[simem:s7], [sflag:s8] =	dma.local @!p0 [hbm:s6], $0xF7A  }
0x23: {  	s9 =	sor.u32 $0xD0000000, s2;
	s6 =	simm.s32 $0x108;
	_ =	swait.ge @!p0 [sflag:s8], $0x0  }
0x24: {  	s3 =	sadd.s32 $0x88, s3;
	s6 =	simm.s32 @!p1 $0x1082;
	[sflag:s4] =	ssyncset.s32 $0xFFFFF086  }
0x25: {  	[simem:s6], [sflag:s4] =	dma.local [hbm:s3], $0xF7A  }
0x26: {  	[smem:$0x3F9E] =	sst s1;
	(tag) =	ssettag s2;
	_ =	strace s9  }
0x27: {  	s1 =	sld [smem:$0x3FAE]  }
0x28: {  	s2 =	sld [smem:$0x3FAF]  }
0x29: {  	s4 =	sld [smem:$0x3FB1]  }
0x2a: {  	p0 =	seq.s32 s5, $0x0;
	s5 =	sld [smem:$0x3FB2]  }
0x2b: {  	s6 =	sld [smem:$0x3FB3]  }
0x2c: {  	s7 =	sld [smem:$0x3FB4]  }
0x2d: {  	s3 =	simm.s32 $0x108;
	s8 =	sld [smem:$0x3FB5]  }
0x2e: {  	s3 =	simm.s32 @!p0 $0x1082;
	s9 =	sld [smem:$0x3FB6]  }
0x2f: {  	lr =	sadd.s32 s0, s3;
	s0 =	sld [smem:$0x3FAD]  }
0x30: {  	s3 =	sld [smem:$0x3FB0]  }
0x31: {  	[smem:$0x3FB9] =	sst s10  }
0x32: {  	s10 =	sld [smem:$0x3FB7];
	_ =	sdelay $0x3  }
0x33: {  	p0 =	seq.s32 s10, $0x1;
	s10 =	sld [smem:$0x3FB9];
	_ =	sdelay $0x3  }
0x34: {  	[smem:$0x3FB9] =	sst s10  }
0x35: {  	s10 =	sld [smem:$0x3FB8];
	_ =	sdelay $0x3  }
0x36: {  	p1 =	seq.s32 s10, $0x1;
	s10 =	sld [smem:$0x3FB9];
	_ =	sdelay $0x3  }
0x37: {  	[smem:$0x3FB9] =	sst s10  }
0x38: {  	s10 =	sld [smem:$0x3FBA]  }
0x39: {  	_ = 	snop;
	(pc) =	sbr.ind lr, $3  }
0x3a: {  	_ = 	snop  }
0x3b: {  	_ = 	snop  }
0x3c: {  	p2 =	seq.s32 s10, $0x1;
	s10 =	sld [smem:$0x3FB9]  }
0x3d: {  	_ =	shalt  }
0x3e: {  	_ =	shalt  }
0x3f: {  	_ =	shalt  }
0x40: {  	_ =	shalt  }
0x41: {  	_ =	shalt  }
0x42: {  	_ =	shalt  }
0x43: {  	_ =	shalt  }
0x44: {  	_ =	shalt  }
0x45: {  	_ =	shalt  }
0x46: {  	_ =	shalt  }
0x47: {  	_ =	shalt  }
0x48: {  	_ =	shalt  }
0x49: {  	_ =	shalt  }
0x4a: {  	_ =	shalt  }
0x4b: {  	_ =	shalt  }
0x4c: {  	_ =	shalt  }
0x4d: {  	_ =	shalt  }
0x4e: {  	_ =	shalt  }
0x4f: {  	_ =	shalt  }
0x50: {  	_ =	shalt  }
0x51: {  	_ =	shalt  }
0x52: {  	_ =	shalt  }
0x53: {  	_ =	shalt  }
0x54: {  	_ =	shalt  }
0x55: {  	_ =	shalt  }
0x56: {  	_ =	shalt  }
0x57: {  	_ =	shalt  }
0x58: {  	_ =	shalt  }
0x59: {  	_ =	shalt  }
0x5a: {  	_ =	shalt  }
0x5b: {  	_ =	shalt  }
0x5c: {  	_ =	shalt  }
0x5d: {  	_ =	shalt  }
0x5e: {  	_ =	shalt  }
0x5f: {  	_ =	shalt  }
0x60: {  	_ =	shalt  }
0x61: {  	_ =	shalt  }
0x62: {  	_ =	shalt  }
0x63: {  	_ =	shalt  }
0x64: {  	_ =	shalt  }
0x65: {  	_ =	shalt  }
0x66: {  	_ =	shalt  }
0x67: {  	_ =	shalt  }
0x68: {  	_ =	shalt  }
0x69: {  	_ =	shalt  }
0x6a: {  	_ =	shalt  }
0x6b: {  	_ =	shalt  }
0x6c: {  	_ =	shalt  }
0x6d: {  	_ =	shalt  }
0x6e: {  	_ =	shalt  }
0x6f: {  	_ =	shalt  }
0x70: {  	_ =	shalt  }
0x71: {  	_ =	shalt  }
0x72: {  	_ =	shalt  }
0x73: {  	_ =	shalt  }
0x74: {  	_ =	shalt  }
0x75: {  	_ =	shalt  }
0x76: {  	_ =	shalt  }
0x77: {  	_ =	shalt  }
0x78: {  	_ =	shalt  }
0x79: {  	_ =	shalt  }
0x7a: {  	_ =	shalt  }
0x7b: {  	_ =	shalt  }
0x7c: {  	_ =	shalt  }
0x7d: {  	_ =	shalt  }
0x7e: {  	_ =	shalt  }
0x7f: {  	_ =	shalt  }
0x80: {  	_ =	shalt  }
0x81: {  	_ =	shalt  }
0x82: {  	_ =	shalt  }
0x83: {  	_ =	shalt  }
0x84: {  	_ =	shalt  }
0x85: {  	_ =	shalt  }
0x86: {  	_ =	shalt  }
0x87: {  	_ =	shalt  }
.Lfunc_end0:
.L_simem_size_0:
called_computation_lowered:
.L_overlay_start_0:
0x88: {  	s2 =	sld [smem:$0x3FD9]  }
0x89: {  	s3 =	sld [smem:$0x3FFE];
	_ =	sdelay $0x1  }
0x8a: {  	s1 =	srdreg.scid  }
0x8b: {  	s0 =	sand.u32 $0x1, s1  }
0x8c: {  	s17 =	sshll.u32 s0, $0xA;
	s2 =	sadd.s32 s3, s2  }
0x8d: {  	s2 =	sadd.s32 s2, s17  }
0x8e: {  	[smem:$0x3FC5] =	sst s2  }
0x8f: {  	_ = 	snop  }
0x90: {  	s2 =	sld [smem:$0x3FC9];
	(tm) =	ssettm $0x1  }
0x91: {  	s18 =	sld [smem:$0x3FFB];
	_ =	sdelay $0x3  }
0x92: {  	_ =	strace s18  }
0x93: {  	s3 =	sld [smem:$0x3FFC];
	_ =	sdelay $0x3  }
0x94: {  	_ =	strace s3  }
0x95: {  	s3 =	sld [smem:$0x3FFD];
	_ =	sdelay $0x3  }
0x96: {  	_ =	strace s3  }
0x97: {  	_ =	strace $0x8FFFFFFF  }
0x98: {  	s19 =	sld [smem:$0x3FDB];
	_ =	sdelay $0x1  }
0x99: {  	s4 =	simm.s32 $_scs_section_size  }
0x9a: {  	s5 =	simm.s32 $_size__tile_overlayer_lowered;
	s6 =	simm.s32 $_tile_overlayer_lowered  }
0x9b: {  	s22 =	simm.s32 $0x1BFF;
	s21 =	sshll.u32 s6, $0x1;
	s3 =	sadd.s32 s4, s19  }
0x9c: {  	s7 =	simm.s32 $0x0;
	s20 =	sshll.u32 s5, $0x1;
	s5 =	sadd.s32 s21, s3  }
0x9d: {  	[timem:s7], [sflag:s22] =	dma.local [hbm:s5], s20  }
0x9e: {  	_ =	swait.ge [sflag:s22], s20  }
0x9f: {  	s4 =	ssub.s32 $0x0, s20;
	[sflag:s22] =	ssyncset.done $0x0  }
0xa0: {  	[sflag:s22] =	ssyncadd.s32 s4;
	_ =	sdelay $0x1  }
0xa1: {  	s23 =	simm.s32 $0x1B8B  }
0xa2: {  	_ =	swait.ge [sflag:s23], $0x1  }
0xa3: {  	[sflag:s23] =	ssyncset.done $0x0  }
0xa4: {  	s25 =	simm.s32 $0x1B8E;
	s24 =	sld [smem:$0x3FFE];
	[sflag:s23] =	ssyncadd.s32 $0xFFFFFFFF  }
0xa5: {  	s26 =	simm.s32 $execute0_lowered;
	[smem:$0x3FD2] =	sst s25  }
0xa6: {  	s5 =	sshll.u32 s26, $0x1;
	_ =	strace $0x80000046;
	[dreg:$0x1] =	wrdreg $0xFFFFFFFF  }
0xa7: {  	s28 =	simm.s32 $_size_execute0_lowered;
	s3 =	sadd.s32 s3, s5;
	[dreg:$0x0] =	wrdreg $0x0  }
0xa8: {  	s5 =	sshll.u32 s28, $0x1;
	[dreg:$0x2] =	wrdreg s3  }
0xa9: {  	[dreg:$0x3] =	wrdreg s5  }
0xaa: {  	[dreg:$0x4] =	wrdreg $0xC0  }
0xab: {  	_ =	task [dreg:s7], $0x5FFFF  }
0xac: {  	[dreg:$0x1] =	wrdreg $0xFFFFFFFF  }
0xad: {  	[dreg:$0x0] =	wrdreg $0x60  }
0xae: {  	[dreg:$0x2] =	wrdreg s2  }
0xaf: {  	[dreg:$0x3] =	wrdreg s24  }
0xb0: {  	[dreg:$0x4] =	wrdreg $0x9  }
0xb1: {  	_ =	task.clear_ibuf [dreg:s7], $0x5FFFF;
	_ =	strace $0x90000046  }
0xb2: {  	s29 =	simm.s32 $0x9;
	_ =	strace $0x80000048  }
0xb3: {  	_ =	swait.ge [sflag:s29], $0x1  }
0xb4: {  	[sflag:s29] =	ssyncadd.s32 $0xFFFFFFFF  }
0xb5: {  	_ =	strace $0x90000048  }
0xb6: {  	_ =	sfence  }
0xb7: {  	s30 =	sld [smem:$0x0];
	_ =	sdelay $0x2  }
0xb8: {  	s31 =	sshll.u32 s1, $0xD;
	s1 =	sshrl.u32 s1, $0x2  }
0xb9: {  	s3 =	sand.u32 $0x4000, s31;
	s1 =	sadd.s32 s1, s30  }
0xba: {  	s0 =	sor.u32 s3, s0;
	s1 =	sshll.u32 s1, $0x11  }
0xbb: {  	s0 =	sor.u32 s1, s0  }
0xbc: {  	s0 =	sadd.s32 $0x8F2B, s0  }
0xbd: {  	[sflag:s0] =	ssyncadd.remote.s32 $0x1  }
0xbe: {  	_ =	sfence.sel $0xFFFF  }
0xbf: {  	[dreg:$0x0] =	wrdreg $0xFFFFFFFF;
	(pc) =	sbr.abs _section_cstart, $3  }
0xc0: {  	[dreg:$0x1] =	wrdreg $0xFFFFFFFF  }
0xc1: {  	_ =	task.clear_ibuf [dreg:s7], $0x2FFFF;
	_ =	strace $0x9FFFFFFF  }
0xc2: {  	(tm) =	ssettm $0x7FFFFFFF  }
0xc3: {  	_ =	shalt  }
tec
execute0_lowered:
.L_overlay_start_1:
0x0: {  	(tag) =	ssettag $0x1  }
0x1: {  	s1 =	rddreg [dreg:$0x0]  }
0x2: {  	s6 =	rddreg [dreg:$0x1]  }
0x3: {  	s0 =	rddreg [dreg:$0x2];
	s3 =	simm.s32 $0x0  }
0x4: {  	s4 =	srdreg.scid;
	s2 =	stileid.u32;
	s13 =	simm.s32 $0x410  }
0x5: {  	s14 =	simm.s32 $0x2;
	s15 =	simm.s32 $0x20;
	s16 =	simm.s32 $0x420  }
0x6: {  	s17 =	simm.s32 $0x1;
	s18 =	simm.s32 $0x3;
	s19 =	simm.s32 $0x8120  }
0x7: {  	s20 =	simm.s32 $0xC120;
	s21 =	simm.s32 $0x4;
	s22 =	simm.s32 $0x0  }
0x8: {  	[smem:$0x7FF] =	sst s3;
	s5 =	sand.u32 $0x1, s4;
	s7 =	sshll.u32 s2, $0x1  }
0x9: {  	s4 =	sadd.s32 $0x800, s6;
	s10 =	sadd.s32 $0x1F200, s6;
	s8 =	ssub.s32 $0x2, s5  }
0xa: {  	_ =	strace $0x80000047;
	s5 =	sor.u32 s5, s7;
	s30 =	sshrl.u32 s8, $0x1  }
0xb: {  	s7 =	sshll.u32 s5, $0x1;
	s9 =	sshll.u32 s5, $0xB;
	s11 =	ssub.s32 s8, s30  }
0xc: {  	s31 =	sxor.u32 $0x7E, s7;
	s6 =	sadd.s32 s1, s7;
	s12 =	sxor.u32 $0x1F800, s9  }
0xd: {  	s8 =	sadd.s32 s10, s9;
	s9 =	sxor.u32 $0x3F, s5;
	s7 =	sadd.s32 s1, s31  }
0xe: {  	s10 =	sadd.s32 s10, s12;
	s11 =	smax.u32 s11, $0x1;
	s12 =	simm.s32 $0x400  }
.LBB2_1:
0xf: {  	[tilespmem:s3], [sflag:$0x1] =	stream.linear.gather [hbm4b:s1+s3], $0x400, $0x38;
	[tilespmem:$0x10120] =	vst v63  }
0x10: {  	_ = 	snop  }
0x11: {  	[tilespmem:s12], [sflag:$0x2] =	stream.linear.gather [hbm4b:s6+s3], $0x10, $0x38;
	[tilespmem:$0x10120] =	vst v63  }
0x12: {  	_ = 	snop  }
0x13: {  	[tilespmem:s13], [sflag:$0x2] =	stream.linear.gather [hbm4b:s7+s3], $0x10, $0x38;
	[tilespmem:$0x10120] =	vst v63  }
0x14: {  	_ =	swait.ge [sflag:s14], $0x10  }
0x15: {  	[sflag:s14] =	ssyncset.done $0x0  }
0x16: {  	[sflag:s14] =	ssyncadd.s32 $0xFFFFFFF0  }
0x17: {  	_ =	swait.ge [sflag:s14], $0x10  }
0x18: {  	[sflag:s14] =	ssyncset.done $0x0  }
0x19: {  	[sflag:s14] =	ssyncadd.s32 $0xFFFFFFF0  }
0x1a: {  	[tilespmem:s16], [sflag:$0x3] =	stream.indirect.gather [hbm4b:s4+s15], $0x3E8, s12, s15, $0xb8;
	[tilespmem:$0x10120] =	vst v63  }
0x1b: {  	_ =	swait.ge [sflag:s17], $0x400  }
0x1c: {  	[sflag:s17] =	ssyncset.done $0x0  }
0x1d: {  	[sflag:s17] =	ssyncadd.s32 $0xFFFFFC00  }
0x1e: {  	_ =	swait.ge [sflag:s18], $0x7D00  }
0x1f: {  	[sflag:s18] =	ssyncset.done $0x0  }
0x20: {  	s23 =	smov.u32 s5;
	[sflag:s18] =	ssyncadd.s32 $0xFFFF8300  }
.LBB2_2:
0x21: {  	s24 =	sshll.u32 s23, $0x4  }
0x22: {  	s26 =	sshll.u32 s23, $0x7;
	s25 =	sand.u32 $0x70, s24  }
0x23: {  	s31 =	sand.u32 $0x3FFFFC00, s26;
	s28 =	sadd.s32 $0x8120, s25  }
0x24: {  	s24 =	sand.u32 $0x3FFFFFF0, s24;
	s26 =	sadd.s32 s31, s28  }
0x25: {  	p0 =	por $0x1, $0x1;
	v0 =	vld [tilespmem:s24+$0x0];
	s24 =	sshrl.u32 s23, $0x3;
	s25 =	simm.s32 $0x0;
	v1 =	vmov s28;
	v2 =	vmov s26  }
.LBB2_3:
0x26: {  	v3 =	vmov s25  }
0x27: {  	s26 =	sor.u32 $0x1, s25;
	s28 =	sor.u32 $0x2, s25;
	s29 =	sor.u32 $0x3, s25;
	v3 =	vmul.u32 $0x3E8, v3  }
0x28: {  	s30 =	sor.u32 $0x4, s25;
	s31 =	sor.u32 $0x5, s25;
	v4 =	vmov s26;
	v5 =	vmov s28;
	v6 =	vmov s29  }
0x29: {  	v7 =	vmov s30;
	v8 =	vmov s31;
	v4 =	vmul.u32 $0x3E8, v4  }
0x2a: {  	s28 =	sor.u32 $0x6, s25;
	v5 =	vmul.u32 $0x3E8, v5;
	v6 =	vmul.u32 $0x3E8, v6;
	v3 =	vbroadcast v3, $0x0  }
0x2b: {  	s29 =	sor.u32 $0x7, s25;
	v7 =	vmul.u32 $0x3E8, v7;
	v9 =	vmov s28;
	v4 =	vbroadcast v4, $0x0  }
0x2c: {  	v10 =	vmov s29;
	v5 =	vbroadcast v5, $0x0;
	v3 =	vadd.s32 v0, v3  }
0x2d: {  	v9 =	vmul.u32 $0x3E8, v9;
	v6 =	vbroadcast v6, $0x0;
	v4 =	vadd.s32 v0, v4  }
0x2e: {  	v10 =	vmul.u32 $0x3E8, v10;
	v7 =	vbroadcast v7, $0x0;
	v5 =	vadd.s32 v0, v5  }
0x2f: {  	v8 =	vmul.u32 $0x3E8, v8;
	v9 =	vbroadcast v9, $0x0;
	v6 =	vadd.s32 v0, v6  }
0x30: {  	v10 =	vbroadcast v10, $0x0;
	v7 =	vadd.s32 v0, v7  }
0x31: {  	v8 =	vbroadcast v8, $0x0;
	v9 =	vadd.s32 v0, v9;
	v3 =	vld.idx.msk [tilespmem:v3+s16+$0x0], $0xffff  }
0x32: {  	v10 =	vadd.s32 v0, v10;
	v4 =	vld.idx.msk [tilespmem:v4+s16+$0x0], $0xffff  }
0x33: {  	s30 =	sadd.s32 s24, s25;
	v8 =	vadd.s32 v0, v8;
	v5 =	vld.idx.msk [tilespmem:v5+s16+$0x0], $0xffff  }
0x34: {  	s26 =	sshll.u32 s30, $0xA;
	v6 =	vld.idx.msk [tilespmem:v6+s16+$0x0], $0xffff  }
0x35: {  	s31 =	sshll.u32 s25, $0xA;
	s26 =	sand.u32 $0x3FFFFC00, s26;
	v7 =	vld.idx.msk [tilespmem:v7+s16+$0x0], $0xffff  }
0x36: {  	s25 =	sand.u32 $0x3FFFFC00, s31;
	v62 =	vld.idx.msk [tilespmem:v9+s16+$0x0], $0xffff;
	[tilespmem:v1+s26+$0x0 ss:$0x1] =	vst.idx.msk $0xffff, v3  }
0x37: {  	v63 =	vld.idx.msk [tilespmem:v10+s16+$0x0], $0xffff;
	[tilespmem:v2+s25+$0x80 ss:$0x1] =	vst.idx.msk $0xffff, v4  }
0x38: {  	p1 =	por p0, p0;
	v3 =	vld.idx.msk [tilespmem:v8+s16+$0x0], $0xffff;
	[tilespmem:v2+s25+$0x100 ss:$0x1] =	vst.idx.msk $0xffff, v5  }
.Ltmp0:
0x39: {  	[tilespmem:v2+s25+$0x180 ss:$0x1] =	vst.idx.msk $0xffff, v6;
	(pc) =	sbr.rel @p1 .LBB2_3-.Ltmp0, $4  }
0x3a: {  	[tilespmem:v2+s25+$0x200 ss:$0x1] =	vst.idx.msk $0xffff, v7  }
0x3b: {  	[tilespmem:v2+s25+$0x300 ss:$0x1] =	vst.idx.msk $0xffff, v62  }
0x3c: {  	[tilespmem:v2+s25+$0x380 ss:$0x1] =	vst.idx.msk $0xffff, v63  }
0x3d: {  	p0 =	por $0x0, $0x0;
	[tilespmem:v2+s25+$0x280 ss:$0x1] =	vst.idx.msk $0xffff, v3;
	s25 =	simm.s32 $0x8  }
0x3e: {  	s23 =	sadd.s32 $0x1, s23  }
0x3f: {  	p0 =	sne.s32 s23, $0x40  }
.Ltmp1:
0x40: {  	_ = 	snop;
	(pc) =	sbr.rel @p0 .LBB2_2-.Ltmp1, $1  }
0x41: {  	_ =	sdelay $0x3  }
0x42: {  	[hbm4b:s8+s3] =	stream.linear.scatter [tilespmem:s19], [sflag:$0x4], $0x4000, $0x38;
	[tilespmem:$0x10120] =	vst v63  }
0x43: {  	s23 =	smov.u32 s9  }
.LBB2_6:
0x44: {  	s24 =	sshll.u32 s23, $0x4;
	s25 =	sshll.u32 s23, $0x7  }
0x45: {  	s26 =	sand.u32 $0x3FFFFFF0, s24;
	s28 =	sand.u32 $0x70, s24;
	s31 =	sand.u32 $0x1C00, s25  }
0x46: {  	p0 =	por $0x1, $0x1;
	s25 =	simm.s32 $0x0;
	v0 =	vld [tilespmem:s26+$0x0];
	s24 =	sor.u32 $0x8120, s31;
	v1 =	vmov s28  }
.LBB2_7:
0x47: {  	s26 =	sor.u32 $0x10, s25;
	s28 =	sor.u32 $0x11, s25  }
0x48: {  	s29 =	sor.u32 $0x12, s25;
	s30 =	sor.u32 $0x13, s25;
	v2 =	vmov s26;
	v3 =	vmov s28  }
0x49: {  	s31 =	sor.u32 $0x14, s25;
	v4 =	vmov s29;
	v5 =	vmov s30;
	v2 =	vmul.u32 $0x3E8, v2  }
0x4a: {  	v6 =	vmov s31;
	v3 =	vmul.u32 $0x3E8, v3;
	v4 =	vmul.u32 $0x3E8, v4  }
0x4b: {  	s28 =	sor.u32 $0x15, s25;
	s29 =	sor.u32 $0x16, s25;
	v5 =	vmul.u32 $0x3E8, v5;
	v6 =	vmul.u32 $0x3E8, v6;
	v2 =	vbroadcast v2, $0x0  }
0x4c: {  	s30 =	sor.u32 $0x17, s25;
	v7 =	vmov s28;
	v8 =	vmov s29;
	v3 =	vbroadcast v3, $0x0  }
0x4d: {  	v9 =	vmov s30;
	v4 =	vbroadcast v4, $0x0;
	v2 =	vadd.s32 v0, v2  }
0x4e: {  	v9 =	vmul.u32 $0x3E8, v9;
	v5 =	vbroadcast v5, $0x0;
	v3 =	vadd.s32 v0, v3  }
0x4f: {  	v7 =	vmul.u32 $0x3E8, v7;
	v6 =	vbroadcast v6, $0x0;
	v4 =	vadd.s32 v0, v4  }
0x50: {  	v8 =	vmul.u32 $0x3E8, v8;
	v9 =	vbroadcast v9, $0x0;
	v5 =	vadd.s32 v0, v5  }
0x51: {  	v7 =	vbroadcast v7, $0x0;
	v6 =	vadd.s32 v0, v6  }
0x52: {  	v8 =	vbroadcast v8, $0x0;
	v9 =	vadd.s32 v0, v9;
	v2 =	vld.idx.msk [tilespmem:v2+s16+$0x0], $0xffff  }
0x53: {  	v7 =	vadd.s32 v0, v7;
	v3 =	vld.idx.msk [tilespmem:v3+s16+$0x0], $0xffff  }
0x54: {  	s31 =	sshll.u32 s25, $0xA;
	v8 =	vadd.s32 v0, v8;
	v4 =	vld.idx.msk [tilespmem:v4+s16+$0x0], $0xffff  }
0x55: {  	s25 =	sand.u32 $0x3FFFFC00, s31;
	v5 =	vld.idx.msk [tilespmem:v5+s16+$0x0], $0xffff  }
0x56: {  	s25 =	sadd.s32 s25, s24;
	v6 =	vld.idx.msk [tilespmem:v6+s16+$0x0], $0xffff  }
0x57: {  	v63 =	vld.idx.msk [tilespmem:v9+s16+$0x0], $0xffff;
	[tilespmem:v1+s25+$0x4000 ss:$0x1] =	vst.idx.msk $0xffff, v2  }
0x58: {  	v2 =	vld.idx.msk [tilespmem:v7+s16+$0x0], $0xffff;
	[tilespmem:v1+s25+$0x4080 ss:$0x1] =	vst.idx.msk $0xffff, v3  }
0x59: {  	p1 =	por p0, p0;
	v3 =	vld.idx.msk [tilespmem:v8+s16+$0x0], $0xffff;
	[tilespmem:v1+s25+$0x4100 ss:$0x1] =	vst.idx.msk $0xffff, v4  }
.Ltmp2:
0x5a: {  	[tilespmem:v1+s25+$0x4180 ss:$0x1] =	vst.idx.msk $0xffff, v5;
	(pc) =	sbr.rel @p1 .LBB2_7-.Ltmp2, $4  }
0x5b: {  	[tilespmem:v1+s25+$0x4200 ss:$0x1] =	vst.idx.msk $0xffff, v6  }
0x5c: {  	[tilespmem:v1+s25+$0x4380 ss:$0x1] =	vst.idx.msk $0xffff, v63  }
0x5d: {  	[tilespmem:v1+s25+$0x4280 ss:$0x1] =	vst.idx.msk $0xffff, v2  }
0x5e: {  	p0 =	por $0x0, $0x0;
	[tilespmem:v1+s25+$0x4300 ss:$0x1] =	vst.idx.msk $0xffff, v3;
	s25 =	simm.s32 $0x8  }
0x5f: {  	s23 =	sadd.s32 $0x1, s23  }
0x60: {  	p0 =	sne.s32 s23, $0x40  }
.Ltmp3:
0x61: {  	_ = 	snop;
	(pc) =	sbr.rel @p0 .LBB2_6-.Ltmp3, $1  }
0x62: {  	_ =	sdelay $0x3  }
0x63: {  	[hbm4b:s10+s3] =	stream.linear.scatter [tilespmem:s20], [sflag:$0x4], $0x4000, $0x38;
	[tilespmem:$0x10120] =	vst v63  }
0x64: {  	s22 =	sadd.s32 $0x1, s22  }
0x65: {  	_ =	swait.ge [sflag:s21], $0x4000;
	p0 =	sne.s32 s22, s11  }
.Ltmp4:
0x66: {  	[sflag:s21] =	ssyncset.done $0x0;
	(pc) =	sbr.rel @p0 .LBB2_1-.Ltmp4, $4  }
0x67: {  	[sflag:s21] =	ssyncadd.s32 $0xFFFFC000  }
0x68: {  	_ =	swait.ge [sflag:s21], $0x4000  }
0x69: {  	[sflag:s21] =	ssyncset.done $0x0  }
0x6a: {  	[sflag:s21] =	ssyncadd.s32 $0xFFFFC000  }
0x6b: {  	_ =	sfence.sel $0x180000  }
0x6c: {  	[bflag:$0x0] =	sbarrier.arrive $0xFFFF  }
0x6d: {  	p0 =	sne.s32 s2, $0x0;
	_ =	strace $0x90000047  }
0x6e: {  	s0 =	sadd.s32 @!p0 $0x100000, s0;
	[bflag:$0x2] =	sbarrier.arrive $0xFFFF  }
0x6f: {  	[sflag:s0] =	ssyncadd.tile.s32 @!p0 $0x1;
	_ =	shalt  }
.Lfunc_end2:
_tile_overlayer_lowered:
.L_overlay_start_2:
0x70: {  	(tag) =	ssettag $0x2  }
0x71: {  	s0 =	rddreg [dreg:$0x0];
	s2 =	stileid.u32  }
0x72: {  	s1 =	rddreg [dreg:$0x1];
	p0 =	sne.s32 s2, $0x0  }
0x73: {  	s3 =	rddreg [dreg:$0x2];
	[bflag:$0x3] =	sbarrier.arrive $0xFFFF;
	s2 =	simm.s32 @!p0 $0x1C05  }
0x74: {  	[timem:s3], [sflag:s2] =	dma.local @!p0 [hbm:s0], s1  }
0x75: {  	s0 =	simm.s32 @!p0 $0x5  }
0x76: {  	_ =	swait.ge @!p0 [sflag:s0], s1  }
0x77: {  	s1 =	ssub.s32 @!p0 $0x0, s1;
	[sflag:s0] =	ssyncset.done @!p0 $0x0  }
0x78: {  	[sflag:s0] =	ssyncadd.s32 @!p0 s1  }
0x79: {  	[bflag:$0x3] =	sbarrier.arrive $0xFFFF  }
0x7a: {  	_ =	shalt  }

</sc_bundles>
